<compile_context>
chip_gen: v7x
topology: tpu7x:2x2x1
jax: 0.10.2.dev20260603
libtpu: 0.0.44.dev20260713+nightly
codegen_flags: <defaults>
</compile_context>

<pallas_src>
import functools

import jax
import jax.numpy as jnp
from jax import lax
from jax.experimental import pallas as pl
from jax.experimental.pallas import tpu as pltpu
from jax.experimental.pallas import tpu_sc as plsc

N = 10000
E = 320000
DF = 128
DE = 16
G = 32
DG = 32

NC = 2
NS = 16
NW = NC * NS
EPW = E // NW
CH = 80
NCHUNK = EPW // CH
RPT = 640
CW = 16
N8 = N // 8
N8P = 1256
FP32 = jnp.float32


def _tables_body(nf_ref, b2_ref, gf_ref, w1_ref, w2_ref, w4_ref, be_ref,
                 ps_ref, pd_ref):
    nf = nf_ref[...]
    oh = (b2_ref[...] == lax.broadcasted_iota(jnp.int32, (nf.shape[0], G), 1)
          ).astype(FP32)
    gfw = jnp.dot(gf_ref[...], w4_ref[...], preferred_element_type=FP32)
    ps_ref[...] = (jnp.dot(nf, w1_ref[...], preferred_element_type=FP32)
                   + jnp.dot(oh, gfw, preferred_element_type=FP32)
                   + be_ref[...])
    pd_ref[...] = jnp.dot(nf, w2_ref[...], preferred_element_type=FP32)


def _make_tables(nf, batch2, gf, w1, w2, w4, be2):
    bn = 1000
    grid = N // bn
    return pl.pallas_call(
        _tables_body,
        grid=(grid,),
        in_specs=[
            pl.BlockSpec((bn, DF), lambda i: (i, 0)),
            pl.BlockSpec((bn, 1), lambda i: (i, 0)),
            pl.BlockSpec((G, DG), lambda i: (0, 0)),
            pl.BlockSpec((DF, DF), lambda i: (0, 0)),
            pl.BlockSpec((DF, DF), lambda i: (0, 0)),
            pl.BlockSpec((DG, DF), lambda i: (0, 0)),
            pl.BlockSpec((1, DF), lambda i: (0, 0)),
        ],
        out_specs=[
            pl.BlockSpec((bn, DF), lambda i: (i, 0)),
            pl.BlockSpec((bn, DF), lambda i: (i, 0)),
        ],
        out_shape=[
            jax.ShapeDtypeStruct((N, DF), FP32),
            jax.ShapeDtypeStruct((N, DF), FP32),
        ],
    )(nf, batch2, gf, w1, w2, w4, be2)


def _pe_body(ef_ref, w3_ref, pe_ref):
    pe_ref[...] = jnp.dot(ef_ref[...], w3_ref[...], preferred_element_type=FP32)


def _make_pe(ef, w3):
    be = 4000
    grid = E // be
    return pl.pallas_call(
        _pe_body,
        grid=(grid,),
        in_specs=[
            pl.BlockSpec((be, DE), lambda i: (i, 0)),
            pl.BlockSpec((DE, DF), lambda i: (0, 0)),
        ],
        out_specs=pl.BlockSpec((be, DF), lambda i: (i, 0)),
        out_shape=jax.ShapeDtypeStruct((E, DF), FP32),
    )(ef, w3)


def _sc_edge_kernel(ps_hbm, pd_hbm, pe_hbm, src_hbm, dst_hbm,
                    mask8_hbm, z_hbm,
                    uef_hbm, accd_hbm, cnt8_hbm,
                    src_v, dst_v, dst8_v, dst7_v, a_v, b_v, c_v,
                    accd_s, cnt8_s,
                    sem0, sem1, sem2, sem3):
    c = lax.axis_index("c")
    s = lax.axis_index("s")
    wid = s * NC + c
    ebase = wid * EPW
    r0 = s * RPT

    @pl.when(s < NS - 1)
    def _():
        pltpu.sync_copy(z_hbm.at[pl.ds(r0, RPT)], accd_s.at[pl.ds(r0, RPT)])

    @pl.when(s == NS - 1)
    def _():
        t0 = (NS - 1) * RPT
        pltpu.sync_copy(z_hbm.at[pl.ds(t0, N - t0)],
                        accd_s.at[pl.ds(t0, N - t0)])

    @pl.when(s == 0)
    def _():
        pltpu.sync_copy(z_hbm.at[pl.ds(0, N8P)], cnt8_s)
    plsc.subcore_barrier()

    def chunk(i, carry):
        base = ebase + i * CH
        ci0 = pltpu.async_copy(src_hbm.at[pl.ds(base, CH)], src_v, sem0)
        ci1 = pltpu.async_copy(dst_hbm.at[pl.ds(base, CH)], dst_v, sem1)
        ci0.wait()
        ci1.wait()
        cps = pltpu.async_copy(ps_hbm.at[src_v], a_v, sem0)
        cpd = pltpu.async_copy(pd_hbm.at[dst_v], b_v, sem1)
        cpe = pltpu.async_copy(pe_hbm.at[pl.ds(base, CH)], c_v, sem2)

        for k in range(CH // 16):
            dk = pl.ds(k * 16, 16)
            d16 = dst_v[dk]
            dst8_v[dk] = jax.lax.shift_right_logical(d16, 3)
            dst7_v[dk] = jax.lax.bitwise_and(d16, 7)

        cps.wait()
        cpd.wait()
        cpe.wait()

        def vec(e, cy):
            for j in range(DF // 16):
                d = pl.ds(j * 16, 16)
                c_v[e, d] = jnp.maximum(a_v[e, d] + b_v[e, d] + c_v[e, d],
                                        0.0)
            return cy
        lax.fori_loop(0, CH, vec, 0)

        cw = pltpu.async_copy(c_v, uef_hbm.at[pl.ds(base, CH)], sem3)
        cm = pltpu.async_copy(mask8_hbm.at[dst7_v], a_v, sem0)
        ca = pltpu.async_copy(c_v, accd_s.at[dst_v], sem2, add=True)
        cm.wait()
        cb = pltpu.async_copy(a_v, cnt8_s.at[dst8_v], sem1, add=True)
        ca.wait()
        cb.wait()
        cw.wait()
        return carry
    lax.fori_loop(0, NCHUNK, chunk, 0)

    plsc.subcore_barrier()

    @pl.when(s < NS - 1)
    def _():
        pltpu.sync_copy(accd_s.at[pl.ds(r0, RPT)],
                        accd_hbm.at[pl.ds(c * N + r0, RPT)])
        pltpu.sync_copy(cnt8_s.at[pl.ds(s * 80, 80)],
                        cnt8_hbm.at[pl.ds(c * N8P + s * 80, 80)])

    @pl.when(s == NS - 1)
    def _():
        t0 = (NS - 1) * RPT
        pltpu.sync_copy(accd_s.at[pl.ds(t0, N - t0)],
                        accd_hbm.at[pl.ds(c * N + t0, N - t0)])
        pltpu.sync_copy(cnt8_s.at[pl.ds(1200, N8P - 1200)],
                        cnt8_hbm.at[pl.ds(c * N8P + 1200, N8P - 1200)])


def _sc_edge(ps, pd, pe, src, dst, mask8, z):
    mesh = plsc.VectorSubcoreMesh(core_axis_name="c", subcore_axis_name="s")
    f = pl.kernel(
        _sc_edge_kernel,
        out_type=[
            jax.ShapeDtypeStruct((E, DF), FP32),
            jax.ShapeDtypeStruct((NC * N, DF), FP32),
            jax.ShapeDtypeStruct((NC * N8P, DF), FP32),
        ],
        mesh=mesh,
        scratch_types=[
            pltpu.VMEM((CH,), jnp.int32),
            pltpu.VMEM((CH,), jnp.int32),
            pltpu.VMEM((CH,), jnp.int32),
            pltpu.VMEM((CH,), jnp.int32),
            pltpu.VMEM((CH, DF), FP32),
            pltpu.VMEM((CH, DF), FP32),
            pltpu.VMEM((CH, DF), FP32),
            pltpu.VMEM_SHARED((N, DF), FP32),
            pltpu.VMEM_SHARED((N8P, DF), FP32),
            pltpu.SemaphoreType.DMA,
            pltpu.SemaphoreType.DMA,
            pltpu.SemaphoreType.DMA,
            pltpu.SemaphoreType.DMA,
        ],
    )
    return f(ps, pd, pe, src, dst, mask8, z)


def _edge_pool_body(src_ref, b2_ref, uef_ref, aggef_ref, cntg_ref,
                    agg_acc, cnt_acc, bndl_acc, bndu_acc):
    i = pl.program_id(0)
    ng = pl.num_programs(0)

    @pl.when(i == 0)
    def _():
        agg_acc[...] = jnp.zeros_like(agg_acc)
        cnt_acc[...] = jnp.zeros_like(cnt_acc)
        b = b2_ref[...]
        gi = lax.broadcasted_iota(jnp.int32, (b.shape[0], G), 1)
        bndl_acc[...] = jnp.sum((b < gi).astype(jnp.int32), axis=0,
                                keepdims=True)
        bndu_acc[...] = jnp.sum((b <= gi).astype(jnp.int32), axis=0,
                                keepdims=True)

    s2 = src_ref[...]
    oh = ((s2 >= bndl_acc[...]) & (s2 < bndu_acc[...])).astype(FP32)
    dn = (((0,), (0,)), ((), ()))
    agg_acc[...] += lax.dot_general(oh, uef_ref[...], dn,
                                    preferred_element_type=FP32)
    cnt_acc[...] += lax.dot_general(oh, jnp.ones((s2.shape[0], CW), FP32), dn,
                                    preferred_element_type=FP32)

    @pl.when(i == ng - 1)
    def _():
        aggef_ref[...] = agg_acc[...]
        cntg_ref[...] = cnt_acc[...]


def _edge_pool(src2, batch2, uef):
    be = 4000
    grid = E // be
    return pl.pallas_call(
        _edge_pool_body,
        grid=(grid,),
        in_specs=[
            pl.BlockSpec((be, 1), lambda i: (i, 0)),
            pl.BlockSpec((N, 1), lambda i: (0, 0)),
            pl.BlockSpec((be, DF), lambda i: (i, 0)),
        ],
        out_specs=[
            pl.BlockSpec((G, DF), lambda i: (0, 0)),
            pl.BlockSpec((G, CW), lambda i: (0, 0)),
        ],
        out_shape=[
            jax.ShapeDtypeStruct((G, DF), FP32),
            jax.ShapeDtypeStruct((G, CW), FP32),
        ],
        scratch_shapes=[
            pltpu.VMEM((G, DF), FP32),
            pltpu.VMEM((G, CW), FP32),
            pltpu.VMEM((1, G), jnp.int32),
            pltpu.VMEM((1, G), jnp.int32),
        ],
    )(src2, batch2, uef)


def _node_body(a0_ref, a1_ref, c0_ref, c1_ref, nf_ref, b2_ref, gf_ref,
               wn1_ref, wn2_ref, wn3_ref, bn_ref,
               agf_ref, cge_ref,
               wg1_ref, wg2_ref, wg3_ref, bg_ref,
               unf_ref, ugf_ref, aggn_acc, cntg_acc):
    i = pl.program_id(0)
    ng = pl.num_programs(0)

    @pl.when(i == 0)
    def _():
        aggn_acc[...] = jnp.zeros_like(aggn_acc)
        cntg_acc[...] = jnp.zeros_like(cntg_acc)

    nf = nf_ref[...]
    bn_rows = nf.shape[0]
    cnt = jnp.maximum(c0_ref[...] + c1_ref[...], 1.0)
    agg_e = (a0_ref[...] + a1_ref[...]) / cnt
    oh = (b2_ref[...] == lax.broadcasted_iota(jnp.int32, (bn_rows, G), 1)
          ).astype(FP32)
    gfw = jnp.dot(gf_ref[...], wn3_ref[...], preferred_element_type=FP32)
    unf = jax.nn.relu(
        jnp.dot(agg_e, wn1_ref[...], preferred_element_type=FP32)
        + jnp.dot(nf, wn2_ref[...], preferred_element_type=FP32)
        + jnp.dot(oh, gfw, preferred_element_type=FP32)
        + bn_ref[...]) + nf
    unf_ref[...] = unf

    dn = (((0,), (0,)), ((), ()))
    aggn_acc[...] += lax.dot_general(oh, unf, dn,
                                     preferred_element_type=FP32)
    cntg_acc[...] += lax.dot_general(oh, jnp.ones((bn_rows, DF), FP32), dn,
                                     preferred_element_type=FP32)

    @pl.when(i == ng - 1)
    def _():
        gf = gf_ref[...]
        agg_nf = aggn_acc[...] / jnp.maximum(cntg_acc[...], 1.0)
        cnt_eg = jnp.maximum(cge_ref[:, 0:1], 1.0)
        agg_ef = agf_ref[...] / cnt_eg
        ugf_ref[...] = jax.nn.relu(
            jnp.dot(agg_nf, wg1_ref[...], preferred_element_type=FP32)
            + jnp.dot(agg_ef, wg2_ref[...], preferred_element_type=FP32)
            + jnp.dot(gf, wg3_ref[...], preferred_element_type=FP32)
            + bg_ref[...]) + gf


def _node_global(accd, cntd, nf, batch2, gf, wn1, wn2, wn3, bn2,
                 aggef, cntg, wg1, wg2, wg3, bg2):
    bn = 1000
    grid = N // bn
    zero = lambda i: (0, 0)
    return pl.pallas_call(
        _node_body,
        grid=(grid,),
        in_specs=[
            pl.BlockSpec((bn, DF), lambda i: (i, 0)),
            pl.BlockSpec((bn, DF), lambda i: (i + grid, 0)),
            pl.BlockSpec((bn, 1), lambda i: (i, 0)),
            pl.BlockSpec((bn, 1), lambda i: (i + grid, 0)),
            pl.BlockSpec((bn, DF), lambda i: (i, 0)),
            pl.BlockSpec((bn, 1), lambda i: (i, 0)),
            pl.BlockSpec((G, DG), zero),
            pl.BlockSpec((DF, DF), zero),
            pl.BlockSpec((DF, DF), zero),
            pl.BlockSpec((DG, DF), zero),
            pl.BlockSpec((1, DF), zero),
            pl.BlockSpec((G, DF), zero),
            pl.BlockSpec((G, CW), zero),
            pl.BlockSpec((DF, DG), zero),
            pl.BlockSpec((DF, DG), zero),
            pl.BlockSpec((DG, DG), zero),
            pl.BlockSpec((1, DG), zero),
        ],
        out_specs=[
            pl.BlockSpec((bn, DF), lambda i: (i, 0)),
            pl.BlockSpec((G, DG), zero),
        ],
        out_shape=[
            jax.ShapeDtypeStruct((N, DF), FP32),
            jax.ShapeDtypeStruct((G, DG), FP32),
        ],
        scratch_shapes=[
            pltpu.VMEM((G, DF), FP32),
            pltpu.VMEM((G, DF), FP32),
        ],
    )(accd, accd, cntd, cntd, nf, batch2, gf, wn1, wn2, wn3, bn2,
      aggef, cntg, wg1, wg2, wg3, bg2)


def kernel(nf, ef, gf, edge_index, batch, W_e, b_e, W_n, b_n, W_g, b_g):
    src = edge_index[0].astype(jnp.int32)
    dst = edge_index[1].astype(jnp.int32)
    batch_i = batch.astype(jnp.int32)
    batch2 = batch_i[:, None]

    ps, pd = _make_tables(nf, batch2, gf,
                          W_e[:DF], W_e[DF:2 * DF], W_e[2 * DF + DE:],
                          b_e[None, :])
    pe = _make_pe(ef, W_e[2 * DF:2 * DF + DE])

    z = jnp.zeros((N, DF), FP32)
    mask8 = (lax.broadcasted_iota(jnp.int32, (8, DF), 1) // 16
             == lax.broadcasted_iota(jnp.int32, (8, DF), 0)).astype(FP32)
    uef, accd, cnt8 = _sc_edge(ps, pd, pe, src, dst, mask8, z)
    cntd = (cnt8.reshape(NC, N8P, 8, 16)[..., 0]
            .reshape(NC, N8P * 8)[:, :N].reshape(NC * N, 1))

    aggef, cntg = _edge_pool(src[:, None], batch2, uef)

    unf, ugf = _node_global(accd, cntd, nf, batch2, gf,
                            W_n[:DF], W_n[DF:2 * DF], W_n[2 * DF:],
                            b_n[None, :],
                            aggef, cntg,
                            W_g[:DF], W_g[DF:2 * DF], W_g[2 * DF:],
                            b_g[None, :])
    return unf, uef, ugf

# --- scband reference (transcript-rebuilt; emitter-appended) ---
"""Pipeline reference for scband-pign-86938728005640 (READ-ONLY COPY).

The authoritative reference and input builder live on the scoring server;
editing this copy changes nothing except your own understanding.
"""

import jax, jax.numpy as jnp
import numpy as np

N = 10000   # nodes
E = 320000  # edges
DF = 128    # node feature dim
DE = 16     # edge feature dim
G = 32      # num graphs in batch
DG = 32     # global feature dim


def setup_inputs(seed: int = 0) -> dict:
    key = jax.random.key(seed)
    ks = jax.random.split(key, 10)
    nf = jax.random.normal(ks[0], (N, DF), dtype=jnp.float32)
    ef = jax.random.normal(ks[1], (E, DE), dtype=jnp.float32)
    gf = jax.random.normal(ks[2], (G, DG), dtype=jnp.float32)
    edge_index = jax.random.randint(ks[3], (2, E), 0, N)
    batch = jnp.sort(jax.random.randint(ks[4], (N,), 0, G))
    scale = 0.05
    W_e = jax.random.normal(ks[5], (2 * DF + DE + DG, DF), dtype=jnp.float32) * scale
    b_e = jnp.zeros((DF,), dtype=jnp.float32)
    W_n = jax.random.normal(ks[6], (DF + DF + DG, DF), dtype=jnp.float32) * scale
    b_n = jnp.zeros((DF,), dtype=jnp.float32)
    W_g = jax.random.normal(ks[7], (DF + DF + DG, DG), dtype=jnp.float32) * scale
    b_g = jnp.zeros((DG,), dtype=jnp.float32)
    return {"nf": nf, "ef": ef, "gf": gf, "edge_index": edge_index, "batch": batch,
            "W_e": W_e, "b_e": b_e, "W_n": W_n, "b_n": b_n, "W_g": W_g, "b_g": b_g}


def reference(nf, ef, gf, edge_index, batch, W_e, b_e, W_n, b_n, W_g, b_g):
    src = edge_index[0]
    dst = edge_index[1]

    # ---- edge update: cat([nf[src], nf[dst], ef, gf[batch[src]]]) -> edge MLP ----
    rep_gf_e = jnp.take(gf, jnp.take(batch, src, axis=0), axis=0)
    e_in = jnp.concatenate([jnp.take(nf, src, axis=0), jnp.take(nf, dst, axis=0), ef, rep_gf_e], axis=-1)
    updated_ef = jax.nn.relu(e_in @ W_e + b_e)

    # ---- node update: scatter-mean of updated_ef into dst nodes ----
    cnt_n = jax.ops.segment_sum(jnp.ones((E,), jnp.float32), dst, num_segments=N)
    agg_e = jax.ops.segment_sum(updated_ef, dst, num_segments=N) / jnp.maximum(cnt_n, 1.0)[:, None]
    n_in = jnp.concatenate([agg_e, nf, jnp.take(gf, batch, axis=0)], axis=-1)
    updated_nf = jax.nn.relu(n_in @ W_n + b_n) + nf  # residual

    # ---- global update: per-graph mean pool of nodes and edges ----
    cnt_g = jax.ops.segment_sum(jnp.ones((N,), jnp.float32), batch, num_segments=G)
    agg_nf = jax.ops.segment_sum(updated_nf, batch, num_segments=G) / jnp.maximum(cnt_g, 1.0)[:, None]
    eg = jnp.take(batch, src, axis=0)  # edge -> graph mapping
    cnt_eg = jax.ops.segment_sum(jnp.ones((E,), jnp.float32), eg, num_segments=G)
    agg_ef = jax.ops.segment_sum(updated_ef, eg, num_segments=G) / jnp.maximum(cnt_eg, 1.0)[:, None]
    g_in = jnp.concatenate([agg_nf, agg_ef, gf], axis=-1)
    updated_gf = jax.nn.relu(g_in @ W_g + b_g) + gf  # residual

    return (updated_nf, updated_ef, updated_gf)

if __name__ == "__main__":
    import jax
    _d = setup_inputs()
    print(jax.jit(kernel)(*tuple(_d.values())))

</pallas_src>

<mosaic_0001>
#map = affine_map<(d0, d1) -> (0, 0)>
#map1 = affine_map<(d0, d1) -> (0)>
module attributes {stable_mosaic.version = 14 : i64} {
  func.func @_sc_edge_kernel(%arg0: i32, %arg1: i32, %arg2: memref<10000x128xf32, #tpu.memory_space<hbm>>, %arg3: memref<10000x128xf32, #tpu.memory_space<hbm>>, %arg4: memref<320000x128xf32, #tpu.memory_space<hbm>>, %arg5: memref<320000xi32, #tpu.memory_space<hbm>>, %arg6: memref<320000xi32, #tpu.memory_space<hbm>>, %arg7: memref<8x128xf32, #tpu.memory_space<hbm>>, %arg8: memref<10000x128xf32, #tpu.memory_space<hbm>>, %arg9: memref<320000x128xf32, #tpu.memory_space<hbm>>, %arg10: memref<20000x128xf32, #tpu.memory_space<hbm>>, %arg11: memref<2512x128xf32, #tpu.memory_space<hbm>>, %arg12: memref<80xi32, #tpu.memory_space<vmem>>, %arg13: memref<80xi32, #tpu.memory_space<vmem>>, %arg14: memref<80xi32, #tpu.memory_space<vmem>>, %arg15: memref<80xi32, #tpu.memory_space<vmem>>, %arg16: memref<80x128xf32, #tpu.memory_space<vmem>>, %arg17: memref<80x128xf32, #tpu.memory_space<vmem>>, %arg18: memref<80x128xf32, #tpu.memory_space<vmem>>, %arg19: memref<10000x128xf32, #tpu.memory_space<vmem_shared>>, %arg20: memref<1256x128xf32, #tpu.memory_space<vmem_shared>>, %arg21: memref<!tpu.dma_semaphore, #tpu.memory_space<semaphore_mem>>, %arg22: memref<!tpu.dma_semaphore, #tpu.memory_space<semaphore_mem>>, %arg23: memref<!tpu.dma_semaphore, #tpu.memory_space<semaphore_mem>>, %arg24: memref<!tpu.dma_semaphore, #tpu.memory_space<semaphore_mem>>) attributes {dimension_semantics = [#tpu.dimension_semantics<core_parallel>, #tpu.dimension_semantics<subcore_parallel>], iteration_bounds = array<i64: 2, 16>, scalar_prefetch = 0 : i64, scratch_operands = 13 : i64, tpu.core_type = #tpu.core_type<sc_vector_subcore>, window_params = [{transform_indices = #map}, {transform_indices = #map}, {transform_indices = #map}, {transform_indices = #map1}, {transform_indices = #map1}, {transform_indices = #map}, {transform_indices = #map}, {transform_indices = #map}, {transform_indices = #map}, {transform_indices = #map}]} {
    %mul3A = arith.constant 2 : i32
    %mul3A_0 = arith.muli %arg1, %mul3A : i32
    %add3A = arith.addi %mul3A_0, %arg0 : i32
    %mul3A_1 = arith.constant 10000 : i32
    %mul3A_2 = arith.muli %add3A, %mul3A_1 : i32
    %mul3A_3 = arith.constant 640 : i32
    %mul3A_4 = arith.muli %arg1, %mul3A_3 : i32
    %lt3A = arith.constant 15 : i32
    %lt3A_5 = arith.cmpi slt, %arg1, %lt3A : i32
    %convert_element_type3A = arith.extui %lt3A_5 : i1 to i32
    %cond3A = arith.constant 0 : i32
    %cond3A_6 = arith.cmpi ne, %convert_element_type3A, %cond3A : i32
    scf.if %cond3A_6 {
      "tpu.region"() ({
        %run_scoped3A = tpu.sem_alloc : memref<!tpu.dma_semaphore, #tpu.memory_space<semaphore_mem>>
        %dma_start3A = arith.constant 0 : i32
        %dma_start3A_32 = tpu.memref_slice %arg19[%mul3A_4, %dma_start3A] : memref<10000x128xf32, #tpu.memory_space<vmem_shared>> -> memref<640x128xf32, #tpu.memory_space<vmem_shared>>
        %dma_start3A_33 = arith.constant 0 : i32
        %dma_start3A_34 = tpu.memref_slice %arg8[%mul3A_4, %dma_start3A_33] : memref<10000x128xf32, #tpu.memory_space<hbm>> -> memref<640x128xf32, #tpu.memory_space<hbm>>
        tpu.enqueue_dma source(%dma_start3A_34 : memref<640x128xf32, #tpu.memory_space<hbm>>) target(%dma_start3A_32 : memref<640x128xf32, #tpu.memory_space<vmem_shared>>) target_semaphore(%run_scoped3A : memref<!tpu.dma_semaphore, #tpu.memory_space<semaphore_mem>>)
        %dma_wait3A = arith.constant 0 : i32
        %dma_wait3A_35 = tpu.memref_slice %arg19[%mul3A_4, %dma_wait3A] : memref<10000x128xf32, #tpu.memory_space<vmem_shared>> -> memref<640x128xf32, #tpu.memory_space<vmem_shared>>
        %dma_wait3A_36 = arith.constant 0 : i32
        %dma_wait3A_37 = tpu.memref_slice %arg8[%mul3A_4, %dma_wait3A_36] : memref<10000x128xf32, #tpu.memory_space<hbm>> -> memref<640x128xf32, #tpu.memory_space<hbm>>
        tpu.wait_dma2 semaphore(%run_scoped3A : memref<!tpu.dma_semaphore, #tpu.memory_space<semaphore_mem>>) src(%dma_wait3A_37 : memref<640x128xf32, #tpu.memory_space<hbm>>) dst(%dma_wait3A_35 : memref<640x128xf32, #tpu.memory_space<vmem_shared>>)
        tpu.yield
      }) : () -> ()
    } else {
    }
    %eq3A = arith.constant 15 : i32
    %eq3A_7 = arith.cmpi eq, %arg1, %eq3A : i32
    %convert_element_type3A_8 = arith.extui %eq3A_7 : i1 to i32
    %cond3A_9 = arith.constant 0 : i32
    %cond3A_10 = arith.cmpi ne, %convert_element_type3A_8, %cond3A_9 : i32
    scf.if %cond3A_10 {
      "tpu.region"() ({
        %run_scoped3A = tpu.sem_alloc : memref<!tpu.dma_semaphore, #tpu.memory_space<semaphore_mem>>
        %dma_start3A = arith.constant 9600 : i32
        %dma_start3A_32 = arith.constant 0 : i32
        %dma_start3A_33 = tpu.memref_slice %arg19[%dma_start3A, %dma_start3A_32] : memref<10000x128xf32, #tpu.memory_space<vmem_shared>> -> memref<400x128xf32, #tpu.memory_space<vmem_shared>>
        %dma_start3A_34 = arith.constant 9600 : i32
        %dma_start3A_35 = arith.constant 0 : i32
        %dma_start3A_36 = tpu.memref_slice %arg8[%dma_start3A_34, %dma_start3A_35] : memref<10000x128xf32, #tpu.memory_space<hbm>> -> memref<400x128xf32, #tpu.memory_space<hbm>>
        tpu.enqueue_dma source(%dma_start3A_36 : memref<400x128xf32, #tpu.memory_space<hbm>>) target(%dma_start3A_33 : memref<400x128xf32, #tpu.memory_space<vmem_shared>>) target_semaphore(%run_scoped3A : memref<!tpu.dma_semaphore, #tpu.memory_space<semaphore_mem>>)
        %dma_wait3A = arith.constant 9600 : i32
        %dma_wait3A_37 = arith.constant 0 : i32
        %dma_wait3A_38 = tpu.memref_slice %arg19[%dma_wait3A, %dma_wait3A_37] : memref<10000x128xf32, #tpu.memory_space<vmem_shared>> -> memref<400x128xf32, #tpu.memory_space<vmem_shared>>
        %dma_wait3A_39 = arith.constant 9600 : i32
        %dma_wait3A_40 = arith.constant 0 : i32
        %dma_wait3A_41 = tpu.memref_slice %arg8[%dma_wait3A_39, %dma_wait3A_40] : memref<10000x128xf32, #tpu.memory_space<hbm>> -> memref<400x128xf32, #tpu.memory_space<hbm>>
        tpu.wait_dma2 semaphore(%run_scoped3A : memref<!tpu.dma_semaphore, #tpu.memory_space<semaphore_mem>>) src(%dma_wait3A_41 : memref<400x128xf32, #tpu.memory_space<hbm>>) dst(%dma_wait3A_38 : memref<400x128xf32, #tpu.memory_space<vmem_shared>>)
        tpu.yield
      }) : () -> ()
    } else {
    }
    %eq3A_11 = arith.constant 0 : i32
    %eq3A_12 = arith.cmpi eq, %arg1, %eq3A_11 : i32
    %convert_element_type3A_13 = arith.extui %eq3A_12 : i1 to i32
    %cond3A_14 = arith.constant 0 : i32
    %cond3A_15 = arith.cmpi ne, %convert_element_type3A_13, %cond3A_14 : i32
    scf.if %cond3A_15 {
      "tpu.region"() ({
        %run_scoped3A = tpu.sem_alloc : memref<!tpu.dma_semaphore, #tpu.memory_space<semaphore_mem>>
        %dma_start3A = arith.constant 0 : i32
        %dma_start3A_32 = arith.constant 0 : i32
        %dma_start3A_33 = tpu.memref_slice %arg8[%dma_start3A, %dma_start3A_32] : memref<10000x128xf32, #tpu.memory_space<hbm>> -> memref<1256x128xf32, #tpu.memory_space<hbm>>
        tpu.enqueue_dma source(%dma_start3A_33 : memref<1256x128xf32, #tpu.memory_space<hbm>>) target(%arg20 : memref<1256x128xf32, #tpu.memory_space<vmem_shared>>) target_semaphore(%run_scoped3A : memref<!tpu.dma_semaphore, #tpu.memory_space<semaphore_mem>>)
        %dma_wait3A = arith.constant 0 : i32
        %dma_wait3A_34 = arith.constant 0 : i32
        %dma_wait3A_35 = tpu.memref_slice %arg8[%dma_wait3A, %dma_wait3A_34] : memref<10000x128xf32, #tpu.memory_space<hbm>> -> memref<1256x128xf32, #tpu.memory_space<hbm>>
        tpu.wait_dma2 semaphore(%run_scoped3A : memref<!tpu.dma_semaphore, #tpu.memory_space<semaphore_mem>>) src(%dma_wait3A_35 : memref<1256x128xf32, #tpu.memory_space<hbm>>) dst(%arg20 : memref<1256x128xf32, #tpu.memory_space<vmem_shared>>)
        tpu.yield
      }) : () -> ()
    } else {
    }
    %barrier3A = arith.constant 0 : index
    tpu.barrier barrier_id(%barrier3A)
    %scan3A = arith.constant 0 : i32
    %scan3A_16 = arith.constant 0 : i32
    %scan3A_17 = arith.constant 125 : i32
    %scan3A_18 = arith.addi %scan3A_16, %scan3A_17 : i32
    %scan3A_19 = arith.constant 1 : i32
    scf.for %scan3A_32 = %scan3A_16 to %scan3A_18 step %scan3A_19  : i32 {
      %mul3A_33 = arith.constant 80 : i32
      %mul3A_34 = arith.muli %scan3A_32, %mul3A_33 : i32
      %add3A_35 = arith.addi %mul3A_2, %mul3A_34 : i32
      %dma_start3A = tpu.memref_slice %arg5[%add3A_35] : memref<320000xi32, #tpu.memory_space<hbm>> -> memref<80xi32, #tpu.memory_space<hbm>>
      %dma_start3A_36 = tpu.memref_slice %arg5[%add3A_35] : memref<320000xi32, #tpu.memory_space<hbm>> -> memref<80xi32, #tpu.memory_space<hbm>>
      tpu.enqueue_dma source(%dma_start3A_36 : memref<80xi32, #tpu.memory_space<hbm>>) target(%arg12 : memref<80xi32, #tpu.memory_space<vmem>>) target_semaphore(%arg21 : memref<!tpu.dma_semaphore, #tpu.memory_space<semaphore_mem>>)
      %dma_start3A_37 = tpu.memref_slice %arg6[%add3A_35] : memref<320000xi32, #tpu.memory_space<hbm>> -> memref<80xi32, #tpu.memory_space<hbm>>
      %dma_start3A_38 = tpu.memref_slice %arg6[%add3A_35] : memref<320000xi32, #tpu.memory_space<hbm>> -> memref<80xi32, #tpu.memory_space<hbm>>
      tpu.enqueue_dma source(%dma_start3A_38 : memref<80xi32, #tpu.memory_space<hbm>>) target(%arg13 : memref<80xi32, #tpu.memory_space<vmem>>) target_semaphore(%arg22 : memref<!tpu.dma_semaphore, #tpu.memory_space<semaphore_mem>>)
      %dma_wait3A = tpu.memref_slice %arg5[%add3A_35] : memref<320000xi32, #tpu.memory_space<hbm>> -> memref<80xi32, #tpu.memory_space<hbm>>
      %dma_wait3A_39 = tpu.memref_slice %arg5[%add3A_35] : memref<320000xi32, #tpu.memory_space<hbm>> -> memref<80xi32, #tpu.memory_space<hbm>>
      tpu.wait_dma2 semaphore(%arg21 : memref<!tpu.dma_semaphore, #tpu.memory_space<semaphore_mem>>) src(%dma_wait3A_39 : memref<80xi32, #tpu.memory_space<hbm>>) dst(%arg12 : memref<80xi32, #tpu.memory_space<vmem>>)
      %dma_wait3A_40 = tpu.memref_slice %arg6[%add3A_35] : memref<320000xi32, #tpu.memory_space<hbm>> -> memref<80xi32, #tpu.memory_space<hbm>>
      %dma_wait3A_41 = tpu.memref_slice %arg6[%add3A_35] : memref<320000xi32, #tpu.memory_space<hbm>> -> memref<80xi32, #tpu.memory_space<hbm>>
      tpu.wait_dma2 semaphore(%arg22 : memref<!tpu.dma_semaphore, #tpu.memory_space<semaphore_mem>>) src(%dma_wait3A_41 : memref<80xi32, #tpu.memory_space<hbm>>) dst(%arg13 : memref<80xi32, #tpu.memory_space<vmem>>)
      %dma_start3A_42 = arith.constant 0 : i32
      %dma_start3A_43 = arith.constant 0 : i32
      %dma_start3A_44 = tpu.memref_slice %arg2[%dma_start3A_42, %dma_start3A_43] : memref<10000x128xf32, #tpu.memory_space<hbm>> -> memref<10000x128xf32, #tpu.memory_space<hbm>>
      tpu.enqueue_indirect_dma source(%dma_start3A_44 : memref<10000x128xf32, #tpu.memory_space<hbm>>) target(%arg16 : memref<80x128xf32, #tpu.memory_space<vmem>>) offsets(%arg12 : memref<80xi32, #tpu.memory_space<vmem>>) semaphore(%arg21 : memref<!tpu.dma_semaphore, #tpu.memory_space<semaphore_mem>>)
      %dma_start3A_45 = arith.constant 0 : i32
      %dma_start3A_46 = arith.constant 0 : i32
      %dma_start3A_47 = tpu.memref_slice %arg3[%dma_start3A_45, %dma_start3A_46] : memref<10000x128xf32, #tpu.memory_space<hbm>> -> memref<10000x128xf32, #tpu.memory_space<hbm>>
      tpu.enqueue_indirect_dma source(%dma_start3A_47 : memref<10000x128xf32, #tpu.memory_space<hbm>>) target(%arg17 : memref<80x128xf32, #tpu.memory_space<vmem>>) offsets(%arg13 : memref<80xi32, #tpu.memory_space<vmem>>) semaphore(%arg22 : memref<!tpu.dma_semaphore, #tpu.memory_space<semaphore_mem>>)
      %dma_start3A_48 = arith.constant 0 : i32
      %dma_start3A_49 = tpu.memref_slice %arg4[%add3A_35, %dma_start3A_48] : memref<320000x128xf32, #tpu.memory_space<hbm>> -> memref<80x128xf32, #tpu.memory_space<hbm>>
      %dma_start3A_50 = arith.constant 0 : i32
      %dma_start3A_51 = tpu.memref_slice %arg4[%add3A_35, %dma_start3A_50] : memref<320000x128xf32, #tpu.memory_space<hbm>> -> memref<80x128xf32, #tpu.memory_space<hbm>>
      tpu.enqueue_dma source(%dma_start3A_51 : memref<80x128xf32, #tpu.memory_space<hbm>>) target(%arg18 : memref<80x128xf32, #tpu.memory_space<vmem>>) target_semaphore(%arg23 : memref<!tpu.dma_semaphore, #tpu.memory_space<semaphore_mem>>)
      %get3A = arith.constant 0 : index
      %get3A_52 = tpu.vector_load %arg13[%get3A] {strides = array<i32>} : memref<80xi32, #tpu.memory_space<vmem>>, vector<16xi32>,
      %get3A_53 = vector.shape_cast %get3A_52 : vector<16xi32> to vector<16xi32>
      %shift_right_logical3A = arith.constant 3 : i32
      %shift_right_logical3A_54 = vector.broadcast %shift_right_logical3A : i32 to vector<16xi32>
      %shift_right_logical3A_55 = arith.shrui %get3A_53, %shift_right_logical3A_54 : vector<16xi32>
      %swap3A = arith.constant 0 : index
      %swap3A_56 = tpu.vector_load %arg14[%swap3A] {strides = array<i32>} : memref<80xi32, #tpu.memory_space<vmem>>, vector<16xi32>,
      %swap3A_57 = vector.shape_cast %swap3A_56 : vector<16xi32> to vector<16xi32>
      %swap3A_58 = vector.shape_cast %shift_right_logical3A_55 : vector<16xi32> to vector<16xi32>
      tpu.vector_store %arg14[%swap3A], %swap3A_58 {strides = array<i32>} : memref<80xi32, #tpu.memory_space<vmem>>, vector<16xi32>,
      %and3A = arith.constant 7 : i32
      %and3A_59 = vector.broadcast %and3A : i32 to vector<16xi32>
      %and3A_60 = arith.andi %get3A_53, %and3A_59 : vector<16xi32>
      %swap3A_61 = arith.constant 0 : index
      %swap3A_62 = tpu.vector_load %arg15[%swap3A_61] {strides = array<i32>} : memref<80xi32, #tpu.memory_space<vmem>>, vector<16xi32>,
      %swap3A_63 = vector.shape_cast %swap3A_62 : vector<16xi32> to vector<16xi32>
      %swap3A_64 = vector.shape_cast %and3A_60 : vector<16xi32> to vector<16xi32>
      tpu.vector_store %arg15[%swap3A_61], %swap3A_64 {strides = array<i32>} : memref<80xi32, #tpu.memory_space<vmem>>, vector<16xi32>,
      %get3A_65 = arith.constant 16 : index
      %get3A_66 = tpu.vector_load %arg13[%get3A_65] {strides = array<i32>} : memref<80xi32, #tpu.memory_space<vmem>>, vector<16xi32>,
      %get3A_67 = vector.shape_cast %get3A_66 : vector<16xi32> to vector<16xi32>
      %shift_right_logical3A_68 = arith.constant 3 : i32
      %shift_right_logical3A_69 = vector.broadcast %shift_right_logical3A_68 : i32 to vector<16xi32>
      %shift_right_logical3A_70 = arith.shrui %get3A_67, %shift_right_logical3A_69 : vector<16xi32>
      %swap3A_71 = arith.constant 16 : index
      %swap3A_72 = tpu.vector_load %arg14[%swap3A_71] {strides = array<i32>} : memref<80xi32, #tpu.memory_space<vmem>>, vector<16xi32>,
      %swap3A_73 = vector.shape_cast %swap3A_72 : vector<16xi32> to vector<16xi32>
      %swap3A_74 = vector.shape_cast %shift_right_logical3A_70 : vector<16xi32> to vector<16xi32>
      tpu.vector_store %arg14[%swap3A_71], %swap3A_74 {strides = array<i32>} : memref<80xi32, #tpu.memory_space<vmem>>, vector<16xi32>,
      %and3A_75 = arith.constant 7 : i32
      %and3A_76 = vector.broadcast %and3A_75 : i32 to vector<16xi32>
      %and3A_77 = arith.andi %get3A_67, %and3A_76 : vector<16xi32>
      %swap3A_78 = arith.constant 16 : index
      %swap3A_79 = tpu.vector_load %arg15[%swap3A_78] {strides = array<i32>} : memref<80xi32, #tpu.memory_space<vmem>>, vector<16xi32>,
      %swap3A_80 = vector.shape_cast %swap3A_79 : vector<16xi32> to vector<16xi32>
      %swap3A_81 = vector.shape_cast %and3A_77 : vector<16xi32> to vector<16xi32>
      tpu.vector_store %arg15[%swap3A_78], %swap3A_81 {strides = array<i32>} : memref<80xi32, #tpu.memory_space<vmem>>, vector<16xi32>,
      %get3A_82 = arith.constant 32 : index
      %get3A_83 = tpu.vector_load %arg13[%get3A_82] {strides = array<i32>} : memref<80xi32, #tpu.memory_space<vmem>>, vector<16xi32>,
      %get3A_84 = vector.shape_cast %get3A_83 : vector<16xi32> to vector<16xi32>
      %shift_right_logical3A_85 = arith.constant 3 : i32
      %shift_right_logical3A_86 = vector.broadcast %shift_right_logical3A_85 : i32 to vector<16xi32>
      %shift_right_logical3A_87 = arith.shrui %get3A_84, %shift_right_logical3A_86 : vector<16xi32>
      %swap3A_88 = arith.constant 32 : index
      %swap3A_89 = tpu.vector_load %arg14[%swap3A_88] {strides = array<i32>} : memref<80xi32, #tpu.memory_space<vmem>>, vector<16xi32>,
      %swap3A_90 = vector.shape_cast %swap3A_89 : vector<16xi32> to vector<16xi32>
      %swap3A_91 = vector.shape_cast %shift_right_logical3A_87 : vector<16xi32> to vector<16xi32>
      tpu.vector_store %arg14[%swap3A_88], %swap3A_91 {strides = array<i32>} : memref<80xi32, #tpu.memory_space<vmem>>, vector<16xi32>,
      %and3A_92 = arith.constant 7 : i32
      %and3A_93 = vector.broadcast %and3A_92 : i32 to vector<16xi32>
      %and3A_94 = arith.andi %get3A_84, %and3A_93 : vector<16xi32>
      %swap3A_95 = arith.constant 32 : index
      %swap3A_96 = tpu.vector_load %arg15[%swap3A_95] {strides = array<i32>} : memref<80xi32, #tpu.memory_space<vmem>>, vector<16xi32>,
      %swap3A_97 = vector.shape_cast %swap3A_96 : vector<16xi32> to vector<16xi32>
      %swap3A_98 = vector.shape_cast %and3A_94 : vector<16xi32> to vector<16xi32>
      tpu.vector_store %arg15[%swap3A_95], %swap3A_98 {strides = array<i32>} : memref<80xi32, #tpu.memory_space<vmem>>, vector<16xi32>,
      %get3A_99 = arith.constant 48 : index
      %get3A_100 = tpu.vector_load %arg13[%get3A_99] {strides = array<i32>} : memref<80xi32, #tpu.memory_space<vmem>>, vector<16xi32>,
      %get3A_101 = vector.shape_cast %get3A_100 : vector<16xi32> to vector<16xi32>
      %shift_right_logical3A_102 = arith.constant 3 : i32
      %shift_right_logical3A_103 = vector.broadcast %shift_right_logical3A_102 : i32 to vector<16xi32>
      %shift_right_logical3A_104 = arith.shrui %get3A_101, %shift_right_logical3A_103 : vector<16xi32>
      %swap3A_105 = arith.constant 48 : index
      %swap3A_106 = tpu.vector_load %arg14[%swap3A_105] {strides = array<i32>} : memref<80xi32, #tpu.memory_space<vmem>>, vector<16xi32>,
      %swap3A_107 = vector.shape_cast %swap3A_106 : vector<16xi32> to vector<16xi32>
      %swap3A_108 = vector.shape_cast %shift_right_logical3A_104 : vector<16xi32> to vector<16xi32>
      tpu.vector_store %arg14[%swap3A_105], %swap3A_108 {strides = array<i32>} : memref<80xi32, #tpu.memory_space<vmem>>, vector<16xi32>,
      %and3A_109 = arith.constant 7 : i32
      %and3A_110 = vector.broadcast %and3A_109 : i32 to vector<16xi32>
      %and3A_111 = arith.andi %get3A_101, %and3A_110 : vector<16xi32>
      %swap3A_112 = arith.constant 48 : index
      %swap3A_113 = tpu.vector_load %arg15[%swap3A_112] {strides = array<i32>} : memref<80xi32, #tpu.memory_space<vmem>>, vector<16xi32>,
      %swap3A_114 = vector.shape_cast %swap3A_113 : vector<16xi32> to vector<16xi32>
      %swap3A_115 = vector.shape_cast %and3A_111 : vector<16xi32> to vector<16xi32>
      tpu.vector_store %arg15[%swap3A_112], %swap3A_115 {strides = array<i32>} : memref<80xi32, #tpu.memory_space<vmem>>, vector<16xi32>,
      %get3A_116 = arith.constant 64 : index
      %get3A_117 = tpu.vector_load %arg13[%get3A_116] {strides = array<i32>} : memref<80xi32, #tpu.memory_space<vmem>>, vector<16xi32>,
      %get3A_118 = vector.shape_cast %get3A_117 : vector<16xi32> to vector<16xi32>
      %shift_right_logical3A_119 = arith.constant 3 : i32
      %shift_right_logical3A_120 = vector.broadcast %shift_right_logical3A_119 : i32 to vector<16xi32>
      %shift_right_logical3A_121 = arith.shrui %get3A_118, %shift_right_logical3A_120 : vector<16xi32>
      %swap3A_122 = arith.constant 64 : index
      %swap3A_123 = tpu.vector_load %arg14[%swap3A_122] {strides = array<i32>} : memref<80xi32, #tpu.memory_space<vmem>>, vector<16xi32>,
      %swap3A_124 = vector.shape_cast %swap3A_123 : vector<16xi32> to vector<16xi32>
      %swap3A_125 = vector.shape_cast %shift_right_logical3A_121 : vector<16xi32> to vector<16xi32>
      tpu.vector_store %arg14[%swap3A_122], %swap3A_125 {strides = array<i32>} : memref<80xi32, #tpu.memory_space<vmem>>, vector<16xi32>,
      %and3A_126 = arith.constant 7 : i32
      %and3A_127 = vector.broadcast %and3A_126 : i32 to vector<16xi32>
      %and3A_128 = arith.andi %get3A_118, %and3A_127 : vector<16xi32>
      %swap3A_129 = arith.constant 64 : index
      %swap3A_130 = tpu.vector_load %arg15[%swap3A_129] {strides = array<i32>} : memref<80xi32, #tpu.memory_space<vmem>>, vector<16xi32>,
      %swap3A_131 = vector.shape_cast %swap3A_130 : vector<16xi32> to vector<16xi32>
      %swap3A_132 = vector.shape_cast %and3A_128 : vector<16xi32> to vector<16xi32>
      tpu.vector_store %arg15[%swap3A_129], %swap3A_132 {strides = array<i32>} : memref<80xi32, #tpu.memory_space<vmem>>, vector<16xi32>,
      %dma_wait3A_133 = arith.constant 0 : i32
      %dma_wait3A_134 = arith.constant 0 : i32
      %dma_wait3A_135 = tpu.memref_slice %arg2[%dma_wait3A_133, %dma_wait3A_134] : memref<10000x128xf32, #tpu.memory_space<hbm>> -> memref<10000x128xf32, #tpu.memory_space<hbm>>
      tpu.wait_indirect_dma semaphore(%arg21 : memref<!tpu.dma_semaphore, #tpu.memory_space<semaphore_mem>>) src(%dma_wait3A_135 : memref<10000x128xf32, #tpu.memory_space<hbm>>) dst(%arg16 : memref<80x128xf32, #tpu.memory_space<vmem>>)
      %dma_wait3A_136 = arith.constant 0 : i32
      %dma_wait3A_137 = arith.constant 0 : i32
      %dma_wait3A_138 = tpu.memref_slice %arg3[%dma_wait3A_136, %dma_wait3A_137] : memref<10000x128xf32, #tpu.memory_space<hbm>> -> memref<10000x128xf32, #tpu.memory_space<hbm>>
      tpu.wait_indirect_dma semaphore(%arg22 : memref<!tpu.dma_semaphore, #tpu.memory_space<semaphore_mem>>) src(%dma_wait3A_138 : memref<10000x128xf32, #tpu.memory_space<hbm>>) dst(%arg17 : memref<80x128xf32, #tpu.memory_space<vmem>>)
      %dma_wait3A_139 = arith.constant 0 : i32
      %dma_wait3A_140 = tpu.memref_slice %arg4[%add3A_35, %dma_wait3A_139] : memref<320000x128xf32, #tpu.memory_space<hbm>> -> memref<80x128xf32, #tpu.memory_space<hbm>>
      %dma_wait3A_141 = arith.constant 0 : i32
      %dma_wait3A_142 = tpu.memref_slice %arg4[%add3A_35, %dma_wait3A_141] : memref<320000x128xf32, #tpu.memory_space<hbm>> -> memref<80x128xf32, #tpu.memory_space<hbm>>
      tpu.wait_dma2 semaphore(%arg23 : memref<!tpu.dma_semaphore, #tpu.memory_space<semaphore_mem>>) src(%dma_wait3A_142 : memref<80x128xf32, #tpu.memory_space<hbm>>) dst(%arg18 : memref<80x128xf32, #tpu.memory_space<vmem>>)
      %scan3A_143 = arith.constant 0 : i32
      %scan3A_144 = arith.constant 0 : i32
      %scan3A_145 = arith.constant 80 : i32
      %scan3A_146 = arith.addi %scan3A_144, %scan3A_145 : i32
      %scan3A_147 = arith.constant 1 : i32
      scf.for %scan3A_175 = %scan3A_144 to %scan3A_146 step %scan3A_147  : i32 {
        %get3A_176 = arith.index_cast %scan3A_175 : i32 to index
        %get3A_177 = arith.constant 0 : index
        %get3A_178 = tpu.vector_load %arg16[%get3A_176, %get3A_177] {strides = array<i32>} : memref<80x128xf32, #tpu.memory_space<vmem>>, vector<1x16xf32>,
        %get3A_179 = vector.shape_cast %get3A_178 : vector<1x16xf32> to vector<16xf32>
        %get3A_180 = arith.index_cast %scan3A_175 : i32 to index
        %get3A_181 = arith.constant 0 : index
        %get3A_182 = tpu.vector_load %arg17[%get3A_180, %get3A_181] {strides = array<i32>} : memref<80x128xf32, #tpu.memory_space<vmem>>, vector<1x16xf32>,
        %get3A_183 = vector.shape_cast %get3A_182 : vector<1x16xf32> to vector<16xf32>
        %add3A_184 = arith.addf %get3A_179, %get3A_183 : vector<16xf32>
        %get3A_185 = arith.index_cast %scan3A_175 : i32 to index
        %get3A_186 = arith.constant 0 : index
        %get3A_187 = tpu.vector_load %arg18[%get3A_185, %get3A_186] {strides = array<i32>} : memref<80x128xf32, #tpu.memory_space<vmem>>, vector<1x16xf32>,
        %get3A_188 = vector.shape_cast %get3A_187 : vector<1x16xf32> to vector<16xf32>
        %add3A_189 = arith.addf %add3A_184, %get3A_188 : vector<16xf32>
        %max3A = arith.constant 0.000000e+00 : f32
        %max3A_190 = vector.broadcast %max3A : f32 to vector<16xf32>
        %max3A_191 = arith.maximumf %add3A_189, %max3A_190 : vector<16xf32>
        %swap3A_192 = arith.index_cast %scan3A_175 : i32 to index
        %swap3A_193 = arith.constant 0 : index
        %swap3A_194 = tpu.vector_load %arg18[%swap3A_192, %swap3A_193] {strides = array<i32>} : memref<80x128xf32, #tpu.memory_space<vmem>>, vector<1x16xf32>,
        %swap3A_195 = vector.shape_cast %swap3A_194 : vector<1x16xf32> to vector<16xf32>
        %swap3A_196 = vector.shape_cast %max3A_191 : vector<16xf32> to vector<1x16xf32>
        tpu.vector_store %arg18[%swap3A_192, %swap3A_193], %swap3A_196 {strides = array<i32>} : memref<80x128xf32, #tpu.memory_space<vmem>>, vector<1x16xf32>,
        %get3A_197 = arith.index_cast %scan3A_175 : i32 to index
        %get3A_198 = arith.constant 16 : index
        %get3A_199 = tpu.vector_load %arg16[%get3A_197, %get3A_198] {strides = array<i32>} : memref<80x128xf32, #tpu.memory_space<vmem>>, vector<1x16xf32>,
        %get3A_200 = vector.shape_cast %get3A_199 : vector<1x16xf32> to vector<16xf32>
        %get3A_201 = arith.index_cast %scan3A_175 : i32 to index
        %get3A_202 = arith.constant 16 : index
        %get3A_203 = tpu.vector_load %arg17[%get3A_201, %get3A_202] {strides = array<i32>} : memref<80x128xf32, #tpu.memory_space<vmem>>, vector<1x16xf32>,
        %get3A_204 = vector.shape_cast %get3A_203 : vector<1x16xf32> to vector<16xf32>
        %add3A_205 = arith.addf %get3A_200, %get3A_204 : vector<16xf32>
        %get3A_206 = arith.index_cast %scan3A_175 : i32 to index
        %get3A_207 = arith.constant 16 : index
        %get3A_208 = tpu.vector_load %arg18[%get3A_206, %get3A_207] {strides = array<i32>} : memref<80x128xf32, #tpu.memory_space<vmem>>, vector<1x16xf32>,
        %get3A_209 = vector.shape_cast %get3A_208 : vector<1x16xf32> to vector<16xf32>
        %add3A_210 = arith.addf %add3A_205, %get3A_209 : vector<16xf32>
        %max3A_211 = arith.constant 0.000000e+00 : f32
        %max3A_212 = vector.broadcast %max3A_211 : f32 to vector<16xf32>
        %max3A_213 = arith.maximumf %add3A_210, %max3A_212 : vector<16xf32>
        %swap3A_214 = arith.index_cast %scan3A_175 : i32 to index
        %swap3A_215 = arith.constant 16 : index
        %swap3A_216 = tpu.vector_load %arg18[%swap3A_214, %swap3A_215] {strides = array<i32>} : memref<80x128xf32, #tpu.memory_space<vmem>>, vector<1x16xf32>,
        %swap3A_217 = vector.shape_cast %swap3A_216 : vector<1x16xf32> to vector<16xf32>
        %swap3A_218 = vector.shape_cast %max3A_213 : vector<16xf32> to vector<1x16xf32>
        tpu.vector_store %arg18[%swap3A_214, %swap3A_215], %swap3A_218 {strides = array<i32>} : memref<80x128xf32, #tpu.memory_space<vmem>>, vector<1x16xf32>,
        %get3A_219 = arith.index_cast %scan3A_175 : i32 to index
        %get3A_220 = arith.constant 32 : index
        %get3A_221 = tpu.vector_load %arg16[%get3A_219, %get3A_220] {strides = array<i32>} : memref<80x128xf32, #tpu.memory_space<vmem>>, vector<1x16xf32>,
        %get3A_222 = vector.shape_cast %get3A_221 : vector<1x16xf32> to vector<16xf32>
        %get3A_223 = arith.index_cast %scan3A_175 : i32 to index
        %get3A_224 = arith.constant 32 : index
        %get3A_225 = tpu.vector_load %arg17[%get3A_223, %get3A_224] {strides = array<i32>} : memref<80x128xf32, #tpu.memory_space<vmem>>, vector<1x16xf32>,
        %get3A_226 = vector.shape_cast %get3A_225 : vector<1x16xf32> to vector<16xf32>
        %add3A_227 = arith.addf %get3A_222, %get3A_226 : vector<16xf32>
        %get3A_228 = arith.index_cast %scan3A_175 : i32 to index
        %get3A_229 = arith.constant 32 : index
        %get3A_230 = tpu.vector_load %arg18[%get3A_228, %get3A_229] {strides = array<i32>} : memref<80x128xf32, #tpu.memory_space<vmem>>, vector<1x16xf32>,
        %get3A_231 = vector.shape_cast %get3A_230 : vector<1x16xf32> to vector<16xf32>
        %add3A_232 = arith.addf %add3A_227, %get3A_231 : vector<16xf32>
        %max3A_233 = arith.constant 0.000000e+00 : f32
        %max3A_234 = vector.broadcast %max3A_233 : f32 to vector<16xf32>
        %max3A_235 = arith.maximumf %add3A_232, %max3A_234 : vector<16xf32>
        %swap3A_236 = arith.index_cast %scan3A_175 : i32 to index
        %swap3A_237 = arith.constant 32 : index
        %swap3A_238 = tpu.vector_load %arg18[%swap3A_236, %swap3A_237] {strides = array<i32>} : memref<80x128xf32, #tpu.memory_space<vmem>>, vector<1x16xf32>,
        %swap3A_239 = vector.shape_cast %swap3A_238 : vector<1x16xf32> to vector<16xf32>
        %swap3A_240 = vector.shape_cast %max3A_235 : vector<16xf32> to vector<1x16xf32>
        tpu.vector_store %arg18[%swap3A_236, %swap3A_237], %swap3A_240 {strides = array<i32>} : memref<80x128xf32, #tpu.memory_space<vmem>>, vector<1x16xf32>,
        %get3A_241 = arith.index_cast %scan3A_175 : i32 to index
        %get3A_242 = arith.constant 48 : index
        %get3A_243 = tpu.vector_load %arg16[%get3A_241, %get3A_242] {strides = array<i32>} : memref<80x128xf32, #tpu.memory_space<vmem>>, vector<1x16xf32>,
        %get3A_244 = vector.shape_cast %get3A_243 : vector<1x16xf32> to vector<16xf32>
        %get3A_245 = arith.index_cast %scan3A_175 : i32 to index
        %get3A_246 = arith.constant 48 : index
        %get3A_247 = tpu.vector_load %arg17[%get3A_245, %get3A_246] {strides = array<i32>} : memref<80x128xf32, #tpu.memory_space<vmem>>, vector<1x16xf32>,
        %get3A_248 = vector.shape_cast %get3A_247 : vector<1x16xf32> to vector<16xf32>
        %add3A_249 = arith.addf %get3A_244, %get3A_248 : vector<16xf32>
        %get3A_250 = arith.index_cast %scan3A_175 : i32 to index
        %get3A_251 = arith.constant 48 : index
        %get3A_252 = tpu.vector_load %arg18[%get3A_250, %get3A_251] {strides = array<i32>} : memref<80x128xf32, #tpu.memory_space<vmem>>, vector<1x16xf32>,
        %get3A_253 = vector.shape_cast %get3A_252 : vector<1x16xf32> to vector<16xf32>
        %add3A_254 = arith.addf %add3A_249, %get3A_253 : vector<16xf32>
        %max3A_255 = arith.constant 0.000000e+00 : f32
        %max3A_256 = vector.broadcast %max3A_255 : f32 to vector<16xf32>
        %max3A_257 = arith.maximumf %add3A_254, %max3A_256 : vector<16xf32>
        %swap3A_258 = arith.index_cast %scan3A_175 : i32 to index
        %swap3A_259 = arith.constant 48 : index
        %swap3A_260 = tpu.vector_load %arg18[%swap3A_258, %swap3A_259] {strides = array<i32>} : memref<80x128xf32, #tpu.memory_space<vmem>>, vector<1x16xf32>,
        %swap3A_261 = vector.shape_cast %swap3A_260 : vector<1x16xf32> to vector<16xf32>
        %swap3A_262 = vector.shape_cast %max3A_257 : vector<16xf32> to vector<1x16xf32>
        tpu.vector_store %arg18[%swap3A_258, %swap3A_259], %swap3A_262 {strides = array<i32>} : memref<80x128xf32, #tpu.memory_space<vmem>>, vector<1x16xf32>,
        %get3A_263 = arith.index_cast %scan3A_175 : i32 to index
        %get3A_264 = arith.constant 64 : index
        %get3A_265 = tpu.vector_load %arg16[%get3A_263, %get3A_264] {strides = array<i32>} : memref<80x128xf32, #tpu.memory_space<vmem>>, vector<1x16xf32>,
        %get3A_266 = vector.shape_cast %get3A_265 : vector<1x16xf32> to vector<16xf32>
        %get3A_267 = arith.index_cast %scan3A_175 : i32 to index
        %get3A_268 = arith.constant 64 : index
        %get3A_269 = tpu.vector_load %arg17[%get3A_267, %get3A_268] {strides = array<i32>} : memref<80x128xf32, #tpu.memory_space<vmem>>, vector<1x16xf32>,
        %get3A_270 = vector.shape_cast %get3A_269 : vector<1x16xf32> to vector<16xf32>
        %add3A_271 = arith.addf %get3A_266, %get3A_270 : vector<16xf32>
        %get3A_272 = arith.index_cast %scan3A_175 : i32 to index
        %get3A_273 = arith.constant 64 : index
        %get3A_274 = tpu.vector_load %arg18[%get3A_272, %get3A_273] {strides = array<i32>} : memref<80x128xf32, #tpu.memory_space<vmem>>, vector<1x16xf32>,
        %get3A_275 = vector.shape_cast %get3A_274 : vector<1x16xf32> to vector<16xf32>
        %add3A_276 = arith.addf %add3A_271, %get3A_275 : vector<16xf32>
        %max3A_277 = arith.constant 0.000000e+00 : f32
        %max3A_278 = vector.broadcast %max3A_277 : f32 to vector<16xf32>
        %max3A_279 = arith.maximumf %add3A_276, %max3A_278 : vector<16xf32>
        %swap3A_280 = arith.index_cast %scan3A_175 : i32 to index
        %swap3A_281 = arith.constant 64 : index
        %swap3A_282 = tpu.vector_load %arg18[%swap3A_280, %swap3A_281] {strides = array<i32>} : memref<80x128xf32, #tpu.memory_space<vmem>>, vector<1x16xf32>,
        %swap3A_283 = vector.shape_cast %swap3A_282 : vector<1x16xf32> to vector<16xf32>
        %swap3A_284 = vector.shape_cast %max3A_279 : vector<16xf32> to vector<1x16xf32>
        tpu.vector_store %arg18[%swap3A_280, %swap3A_281], %swap3A_284 {strides = array<i32>} : memref<80x128xf32, #tpu.memory_space<vmem>>, vector<1x16xf32>,
        %get3A_285 = arith.index_cast %scan3A_175 : i32 to index
        %get3A_286 = arith.constant 80 : index
        %get3A_287 = tpu.vector_load %arg16[%get3A_285, %get3A_286] {strides = array<i32>} : memref<80x128xf32, #tpu.memory_space<vmem>>, vector<1x16xf32>,
        %get3A_288 = vector.shape_cast %get3A_287 : vector<1x16xf32> to vector<16xf32>
        %get3A_289 = arith.index_cast %scan3A_175 : i32 to index
        %get3A_290 = arith.constant 80 : index
        %get3A_291 = tpu.vector_load %arg17[%get3A_289, %get3A_290] {strides = array<i32>} : memref<80x128xf32, #tpu.memory_space<vmem>>, vector<1x16xf32>,
        %get3A_292 = vector.shape_cast %get3A_291 : vector<1x16xf32> to vector<16xf32>
        %add3A_293 = arith.addf %get3A_288, %get3A_292 : vector<16xf32>
        %get3A_294 = arith.index_cast %scan3A_175 : i32 to index
        %get3A_295 = arith.constant 80 : index
        %get3A_296 = tpu.vector_load %arg18[%get3A_294, %get3A_295] {strides = array<i32>} : memref<80x128xf32, #tpu.memory_space<vmem>>, vector<1x16xf32>,
        %get3A_297 = vector.shape_cast %get3A_296 : vector<1x16xf32> to vector<16xf32>
        %add3A_298 = arith.addf %add3A_293, %get3A_297 : vector<16xf32>
        %max3A_299 = arith.constant 0.000000e+00 : f32
        %max3A_300 = vector.broadcast %max3A_299 : f32 to vector<16xf32>
        %max3A_301 = arith.maximumf %add3A_298, %max3A_300 : vector<16xf32>
        %swap3A_302 = arith.index_cast %scan3A_175 : i32 to index
        %swap3A_303 = arith.constant 80 : index
        %swap3A_304 = tpu.vector_load %arg18[%swap3A_302, %swap3A_303] {strides = array<i32>} : memref<80x128xf32, #tpu.memory_space<vmem>>, vector<1x16xf32>,
        %swap3A_305 = vector.shape_cast %swap3A_304 : vector<1x16xf32> to vector<16xf32>
        %swap3A_306 = vector.shape_cast %max3A_301 : vector<16xf32> to vector<1x16xf32>
        tpu.vector_store %arg18[%swap3A_302, %swap3A_303], %swap3A_306 {strides = array<i32>} : memref<80x128xf32, #tpu.memory_space<vmem>>, vector<1x16xf32>,
        %get3A_307 = arith.index_cast %scan3A_175 : i32 to index
        %get3A_308 = arith.constant 96 : index
        %get3A_309 = tpu.vector_load %arg16[%get3A_307, %get3A_308] {strides = array<i32>} : memref<80x128xf32, #tpu.memory_space<vmem>>, vector<1x16xf32>,
        %get3A_310 = vector.shape_cast %get3A_309 : vector<1x16xf32> to vector<16xf32>
        %get3A_311 = arith.index_cast %scan3A_175 : i32 to index
        %get3A_312 = arith.constant 96 : index
        %get3A_313 = tpu.vector_load %arg17[%get3A_311, %get3A_312] {strides = array<i32>} : memref<80x128xf32, #tpu.memory_space<vmem>>, vector<1x16xf32>,
        %get3A_314 = vector.shape_cast %get3A_313 : vector<1x16xf32> to vector<16xf32>
        %add3A_315 = arith.addf %get3A_310, %get3A_314 : vector<16xf32>
        %get3A_316 = arith.index_cast %scan3A_175 : i32 to index
        %get3A_317 = arith.constant 96 : index
        %get3A_318 = tpu.vector_load %arg18[%get3A_316, %get3A_317] {strides = array<i32>} : memref<80x128xf32, #tpu.memory_space<vmem>>, vector<1x16xf32>,
        %get3A_319 = vector.shape_cast %get3A_318 : vector<1x16xf32> to vector<16xf32>
        %add3A_320 = arith.addf %add3A_315, %get3A_319 : vector<16xf32>
        %max3A_321 = arith.constant 0.000000e+00 : f32
        %max3A_322 = vector.broadcast %max3A_321 : f32 to vector<16xf32>
        %max3A_323 = arith.maximumf %add3A_320, %max3A_322 : vector<16xf32>
        %swap3A_324 = arith.index_cast %scan3A_175 : i32 to index
        %swap3A_325 = arith.constant 96 : index
        %swap3A_326 = tpu.vector_load %arg18[%swap3A_324, %swap3A_325] {strides = array<i32>} : memref<80x128xf32, #tpu.memory_space<vmem>>, vector<1x16xf32>,
        %swap3A_327 = vector.shape_cast %swap3A_326 : vector<1x16xf32> to vector<16xf32>
        %swap3A_328 = vector.shape_cast %max3A_323 : vector<16xf32> to vector<1x16xf32>
        tpu.vector_store %arg18[%swap3A_324, %swap3A_325], %swap3A_328 {strides = array<i32>} : memref<80x128xf32, #tpu.memory_space<vmem>>, vector<1x16xf32>,
        %get3A_329 = arith.index_cast %scan3A_175 : i32 to index
        %get3A_330 = arith.constant 112 : index
        %get3A_331 = tpu.vector_load %arg16[%get3A_329, %get3A_330] {strides = array<i32>} : memref<80x128xf32, #tpu.memory_space<vmem>>, vector<1x16xf32>,
        %get3A_332 = vector.shape_cast %get3A_331 : vector<1x16xf32> to vector<16xf32>
        %get3A_333 = arith.index_cast %scan3A_175 : i32 to index
        %get3A_334 = arith.constant 112 : index
        %get3A_335 = tpu.vector_load %arg17[%get3A_333, %get3A_334] {strides = array<i32>} : memref<80x128xf32, #tpu.memory_space<vmem>>, vector<1x16xf32>,
        %get3A_336 = vector.shape_cast %get3A_335 : vector<1x16xf32> to vector<16xf32>
        %add3A_337 = arith.addf %get3A_332, %get3A_336 : vector<16xf32>
        %get3A_338 = arith.index_cast %scan3A_175 : i32 to index
        %get3A_339 = arith.constant 112 : index
        %get3A_340 = tpu.vector_load %arg18[%get3A_338, %get3A_339] {strides = array<i32>} : memref<80x128xf32, #tpu.memory_space<vmem>>, vector<1x16xf32>,
        %get3A_341 = vector.shape_cast %get3A_340 : vector<1x16xf32> to vector<16xf32>
        %add3A_342 = arith.addf %add3A_337, %get3A_341 : vector<16xf32>
        %max3A_343 = arith.constant 0.000000e+00 : f32
        %max3A_344 = vector.broadcast %max3A_343 : f32 to vector<16xf32>
        %max3A_345 = arith.maximumf %add3A_342, %max3A_344 : vector<16xf32>
        %swap3A_346 = arith.index_cast %scan3A_175 : i32 to index
        %swap3A_347 = arith.constant 112 : index
        %swap3A_348 = tpu.vector_load %arg18[%swap3A_346, %swap3A_347] {strides = array<i32>} : memref<80x128xf32, #tpu.memory_space<vmem>>, vector<1x16xf32>,
        %swap3A_349 = vector.shape_cast %swap3A_348 : vector<1x16xf32> to vector<16xf32>
        %swap3A_350 = vector.shape_cast %max3A_345 : vector<16xf32> to vector<1x16xf32>
        tpu.vector_store %arg18[%swap3A_346, %swap3A_347], %swap3A_350 {strides = array<i32>} : memref<80x128xf32, #tpu.memory_space<vmem>>, vector<1x16xf32>,
      }
      %scan3A_148 = arith.constant 80 : i32
      %dma_start3A_149 = arith.constant 0 : i32
      %dma_start3A_150 = tpu.memref_slice %arg9[%add3A_35, %dma_start3A_149] : memref<320000x128xf32, #tpu.memory_space<hbm>> -> memref<80x128xf32, #tpu.memory_space<hbm>>
      %dma_start3A_151 = arith.constant 0 : i32
      %dma_start3A_152 = tpu.memref_slice %arg9[%add3A_35, %dma_start3A_151] : memref<320000x128xf32, #tpu.memory_space<hbm>> -> memref<80x128xf32, #tpu.memory_space<hbm>>
      tpu.enqueue_dma source(%arg18 : memref<80x128xf32, #tpu.memory_space<vmem>>) target(%dma_start3A_152 : memref<80x128xf32, #tpu.memory_space<hbm>>) target_semaphore(%arg24 : memref<!tpu.dma_semaphore, #tpu.memory_space<semaphore_mem>>)
      %dma_start3A_153 = arith.constant 0 : i32
      %dma_start3A_154 = arith.constant 0 : i32
      %dma_start3A_155 = tpu.memref_slice %arg7[%dma_start3A_153, %dma_start3A_154] : memref<8x128xf32, #tpu.memory_space<hbm>> -> memref<8x128xf32, #tpu.memory_space<hbm>>
      tpu.enqueue_indirect_dma source(%dma_start3A_155 : memref<8x128xf32, #tpu.memory_space<hbm>>) target(%arg16 : memref<80x128xf32, #tpu.memory_space<vmem>>) offsets(%arg15 : memref<80xi32, #tpu.memory_space<vmem>>) semaphore(%arg21 : memref<!tpu.dma_semaphore, #tpu.memory_space<semaphore_mem>>)
      %dma_start3A_156 = arith.constant 0 : i32
      %dma_start3A_157 = arith.constant 0 : i32
      %dma_start3A_158 = tpu.memref_slice %arg19[%dma_start3A_156, %dma_start3A_157] : memref<10000x128xf32, #tpu.memory_space<vmem_shared>> -> memref<10000x128xf32, #tpu.memory_space<vmem_shared>>
      tpu.enqueue_indirect_dma source(%arg18 : memref<80x128xf32, #tpu.memory_space<vmem>>) target(%dma_start3A_158 : memref<10000x128xf32, #tpu.memory_space<vmem_shared>>) offsets(%arg13 : memref<80xi32, #tpu.memory_space<vmem>>) semaphore(%arg23 : memref<!tpu.dma_semaphore, #tpu.memory_space<semaphore_mem>>) {add = true}
      %dma_wait3A_159 = arith.constant 0 : i32
      %dma_wait3A_160 = arith.constant 0 : i32
      %dma_wait3A_161 = tpu.memref_slice %arg7[%dma_wait3A_159, %dma_wait3A_160] : memref<8x128xf32, #tpu.memory_space<hbm>> -> memref<8x128xf32, #tpu.memory_space<hbm>>
      tpu.wait_indirect_dma semaphore(%arg21 : memref<!tpu.dma_semaphore, #tpu.memory_space<semaphore_mem>>) src(%dma_wait3A_161 : memref<8x128xf32, #tpu.memory_space<hbm>>) dst(%arg16 : memref<80x128xf32, #tpu.memory_space<vmem>>)
      %dma_start3A_162 = arith.constant 0 : i32
      %dma_start3A_163 = arith.constant 0 : i32
      %dma_start3A_164 = tpu.memref_slice %arg20[%dma_start3A_162, %dma_start3A_163] : memref<1256x128xf32, #tpu.memory_space<vmem_shared>> -> memref<1256x128xf32, #tpu.memory_space<vmem_shared>>
      tpu.enqueue_indirect_dma source(%arg16 : memref<80x128xf32, #tpu.memory_space<vmem>>) target(%dma_start3A_164 : memref<1256x128xf32, #tpu.memory_space<vmem_shared>>) offsets(%arg14 : memref<80xi32, #tpu.memory_space<vmem>>) semaphore(%arg22 : memref<!tpu.dma_semaphore, #tpu.memory_space<semaphore_mem>>) {add = true}
      %dma_wait3A_165 = arith.constant 0 : i32
      %dma_wait3A_166 = arith.constant 0 : i32
      %dma_wait3A_167 = tpu.memref_slice %arg19[%dma_wait3A_165, %dma_wait3A_166] : memref<10000x128xf32, #tpu.memory_space<vmem_shared>> -> memref<10000x128xf32, #tpu.memory_space<vmem_shared>>
      tpu.wait_indirect_dma semaphore(%arg23 : memref<!tpu.dma_semaphore, #tpu.memory_space<semaphore_mem>>) src(%arg18 : memref<80x128xf32, #tpu.memory_space<vmem>>) dst(%dma_wait3A_167 : memref<10000x128xf32, #tpu.memory_space<vmem_shared>>)
      %dma_wait3A_168 = arith.constant 0 : i32
      %dma_wait3A_169 = arith.constant 0 : i32
      %dma_wait3A_170 = tpu.memref_slice %arg20[%dma_wait3A_168, %dma_wait3A_169] : memref<1256x128xf32, #tpu.memory_space<vmem_shared>> -> memref<1256x128xf32, #tpu.memory_space<vmem_shared>>
      tpu.wait_indirect_dma semaphore(%arg22 : memref<!tpu.dma_semaphore, #tpu.memory_space<semaphore_mem>>) src(%arg16 : memref<80x128xf32, #tpu.memory_space<vmem>>) dst(%dma_wait3A_170 : memref<1256x128xf32, #tpu.memory_space<vmem_shared>>)
      %dma_wait3A_171 = arith.constant 0 : i32
      %dma_wait3A_172 = tpu.memref_slice %arg9[%add3A_35, %dma_wait3A_171] : memref<320000x128xf32, #tpu.memory_space<hbm>> -> memref<80x128xf32, #tpu.memory_space<hbm>>
      %dma_wait3A_173 = arith.constant 0 : i32
      %dma_wait3A_174 = tpu.memref_slice %arg9[%add3A_35, %dma_wait3A_173] : memref<320000x128xf32, #tpu.memory_space<hbm>> -> memref<80x128xf32, #tpu.memory_space<hbm>>
      tpu.wait_dma2 semaphore(%arg24 : memref<!tpu.dma_semaphore, #tpu.memory_space<semaphore_mem>>) src(%arg18 : memref<80x128xf32, #tpu.memory_space<vmem>>) dst(%dma_wait3A_174 : memref<80x128xf32, #tpu.memory_space<hbm>>)
    }
    %scan3A_20 = arith.constant 125 : i32
    %barrier3A_21 = arith.constant 0 : index
    tpu.barrier barrier_id(%barrier3A_21)
    %lt3A_22 = arith.constant 15 : i32
    %lt3A_23 = arith.cmpi slt, %arg1, %lt3A_22 : i32
    %convert_element_type3A_24 = arith.extui %lt3A_23 : i1 to i32
    %cond3A_25 = arith.constant 0 : i32
    %cond3A_26 = arith.cmpi ne, %convert_element_type3A_24, %cond3A_25 : i32
    scf.if %cond3A_26 {
      %mul3A_32 = arith.constant 10000 : i32
      %mul3A_33 = arith.muli %arg0, %mul3A_32 : i32
      %add3A_34 = arith.addi %mul3A_33, %mul3A_4 : i32
      "tpu.region"() ({
        %run_scoped3A = tpu.sem_alloc : memref<!tpu.dma_semaphore, #tpu.memory_space<semaphore_mem>>
        %dma_start3A = arith.constant 0 : i32
        %dma_start3A_42 = tpu.memref_slice %arg10[%add3A_34, %dma_start3A] : memref<20000x128xf32, #tpu.memory_space<hbm>> -> memref<640x128xf32, #tpu.memory_space<hbm>>
        %dma_start3A_43 = arith.constant 0 : i32
        %dma_start3A_44 = tpu.memref_slice %arg19[%mul3A_4, %dma_start3A_43] : memref<10000x128xf32, #tpu.memory_space<vmem_shared>> -> memref<640x128xf32, #tpu.memory_space<vmem_shared>>
        tpu.enqueue_dma source(%dma_start3A_44 : memref<640x128xf32, #tpu.memory_space<vmem_shared>>) target(%dma_start3A_42 : memref<640x128xf32, #tpu.memory_space<hbm>>) target_semaphore(%run_scoped3A : memref<!tpu.dma_semaphore, #tpu.memory_space<semaphore_mem>>)
        %dma_wait3A = arith.constant 0 : i32
        %dma_wait3A_45 = tpu.memref_slice %arg10[%add3A_34, %dma_wait3A] : memref<20000x128xf32, #tpu.memory_space<hbm>> -> memref<640x128xf32, #tpu.memory_space<hbm>>
        %dma_wait3A_46 = arith.constant 0 : i32
        %dma_wait3A_47 = tpu.memref_slice %arg19[%mul3A_4, %dma_wait3A_46] : memref<10000x128xf32, #tpu.memory_space<vmem_shared>> -> memref<640x128xf32, #tpu.memory_space<vmem_shared>>
        tpu.wait_dma2 semaphore(%run_scoped3A : memref<!tpu.dma_semaphore, #tpu.memory_space<semaphore_mem>>) src(%dma_wait3A_47 : memref<640x128xf32, #tpu.memory_space<vmem_shared>>) dst(%dma_wait3A_45 : memref<640x128xf32, #tpu.memory_space<hbm>>)
        tpu.yield
      }) : () -> ()
      %mul3A_35 = arith.constant 80 : i32
      %mul3A_36 = arith.muli %arg1, %mul3A_35 : i32
      %mul3A_37 = arith.constant 1256 : i32
      %mul3A_38 = arith.muli %arg0, %mul3A_37 : i32
      %mul3A_39 = arith.constant 80 : i32
      %mul3A_40 = arith.muli %arg1, %mul3A_39 : i32
      %add3A_41 = arith.addi %mul3A_38, %mul3A_40 : i32
      "tpu.region"() ({
        %run_scoped3A = tpu.sem_alloc : memref<!tpu.dma_semaphore, #tpu.memory_space<semaphore_mem>>
        %dma_start3A = arith.constant 0 : i32
        %dma_start3A_42 = tpu.memref_slice %arg11[%add3A_41, %dma_start3A] : memref<2512x128xf32, #tpu.memory_space<hbm>> -> memref<80x128xf32, #tpu.memory_space<hbm>>
        %dma_start3A_43 = arith.constant 0 : i32
        %dma_start3A_44 = tpu.memref_slice %arg20[%mul3A_36, %dma_start3A_43] : memref<1256x128xf32, #tpu.memory_space<vmem_shared>> -> memref<80x128xf32, #tpu.memory_space<vmem_shared>>
        tpu.enqueue_dma source(%dma_start3A_44 : memref<80x128xf32, #tpu.memory_space<vmem_shared>>) target(%dma_start3A_42 : memref<80x128xf32, #tpu.memory_space<hbm>>) target_semaphore(%run_scoped3A : memref<!tpu.dma_semaphore, #tpu.memory_space<semaphore_mem>>)
        %dma_wait3A = arith.constant 0 : i32
        %dma_wait3A_45 = tpu.memref_slice %arg11[%add3A_41, %dma_wait3A] : memref<2512x128xf32, #tpu.memory_space<hbm>> -> memref<80x128xf32, #tpu.memory_space<hbm>>
        %dma_wait3A_46 = arith.constant 0 : i32
        %dma_wait3A_47 = tpu.memref_slice %arg20[%mul3A_36, %dma_wait3A_46] : memref<1256x128xf32, #tpu.memory_space<vmem_shared>> -> memref<80x128xf32, #tpu.memory_space<vmem_shared>>
        tpu.wait_dma2 semaphore(%run_scoped3A : memref<!tpu.dma_semaphore, #tpu.memory_space<semaphore_mem>>) src(%dma_wait3A_47 : memref<80x128xf32, #tpu.memory_space<vmem_shared>>) dst(%dma_wait3A_45 : memref<80x128xf32, #tpu.memory_space<hbm>>)
        tpu.yield
      }) : () -> ()
    } else {
    }
    %eq3A_27 = arith.constant 15 : i32
    %eq3A_28 = arith.cmpi eq, %arg1, %eq3A_27 : i32
    %convert_element_type3A_29 = arith.extui %eq3A_28 : i1 to i32
    %cond3A_30 = arith.constant 0 : i32
    %cond3A_31 = arith.cmpi ne, %convert_element_type3A_29, %cond3A_30 : i32
    scf.if %cond3A_31 {
      %mul3A_32 = arith.constant 10000 : i32
      %mul3A_33 = arith.muli %arg0, %mul3A_32 : i32
      %add3A_34 = arith.constant 9600 : i32
      %add3A_35 = arith.addi %mul3A_33, %add3A_34 : i32
      "tpu.region"() ({
        %run_scoped3A = tpu.sem_alloc : memref<!tpu.dma_semaphore, #tpu.memory_space<semaphore_mem>>
        %dma_start3A = arith.constant 0 : i32
        %dma_start3A_40 = tpu.memref_slice %arg10[%add3A_35, %dma_start3A] : memref<20000x128xf32, #tpu.memory_space<hbm>> -> memref<400x128xf32, #tpu.memory_space<hbm>>
        %dma_start3A_41 = arith.constant 9600 : i32
        %dma_start3A_42 = arith.constant 0 : i32
        %dma_start3A_43 = tpu.memref_slice %arg19[%dma_start3A_41, %dma_start3A_42] : memref<10000x128xf32, #tpu.memory_space<vmem_shared>> -> memref<400x128xf32, #tpu.memory_space<vmem_shared>>
        tpu.enqueue_dma source(%dma_start3A_43 : memref<400x128xf32, #tpu.memory_space<vmem_shared>>) target(%dma_start3A_40 : memref<400x128xf32, #tpu.memory_space<hbm>>) target_semaphore(%run_scoped3A : memref<!tpu.dma_semaphore, #tpu.memory_space<semaphore_mem>>)
        %dma_wait3A = arith.constant 0 : i32
        %dma_wait3A_44 = tpu.memref_slice %arg10[%add3A_35, %dma_wait3A] : memref<20000x128xf32, #tpu.memory_space<hbm>> -> memref<400x128xf32, #tpu.memory_space<hbm>>
        %dma_wait3A_45 = arith.constant 9600 : i32
        %dma_wait3A_46 = arith.constant 0 : i32
        %dma_wait3A_47 = tpu.memref_slice %arg19[%dma_wait3A_45, %dma_wait3A_46] : memref<10000x128xf32, #tpu.memory_space<vmem_shared>> -> memref<400x128xf32, #tpu.memory_space<vmem_shared>>
        tpu.wait_dma2 semaphore(%run_scoped3A : memref<!tpu.dma_semaphore, #tpu.memory_space<semaphore_mem>>) src(%dma_wait3A_47 : memref<400x128xf32, #tpu.memory_space<vmem_shared>>) dst(%dma_wait3A_44 : memref<400x128xf32, #tpu.memory_space<hbm>>)
        tpu.yield
      }) : () -> ()
      %mul3A_36 = arith.constant 1256 : i32
      %mul3A_37 = arith.muli %arg0, %mul3A_36 : i32
      %add3A_38 = arith.constant 1200 : i32
      %add3A_39 = arith.addi %mul3A_37, %add3A_38 : i32
      "tpu.region"() ({
        %run_scoped3A = tpu.sem_alloc : memref<!tpu.dma_semaphore, #tpu.memory_space<semaphore_mem>>
        %dma_start3A = arith.constant 0 : i32
        %dma_start3A_40 = tpu.memref_slice %arg11[%add3A_39, %dma_start3A] : memref<2512x128xf32, #tpu.memory_space<hbm>> -> memref<56x128xf32, #tpu.memory_space<hbm>>
        %dma_start3A_41 = arith.constant 1200 : i32
        %dma_start3A_42 = arith.constant 0 : i32
        %dma_start3A_43 = tpu.memref_slice %arg20[%dma_start3A_41, %dma_start3A_42] : memref<1256x128xf32, #tpu.memory_space<vmem_shared>> -> memref<56x128xf32, #tpu.memory_space<vmem_shared>>
        tpu.enqueue_dma source(%dma_start3A_43 : memref<56x128xf32, #tpu.memory_space<vmem_shared>>) target(%dma_start3A_40 : memref<56x128xf32, #tpu.memory_space<hbm>>) target_semaphore(%run_scoped3A : memref<!tpu.dma_semaphore, #tpu.memory_space<semaphore_mem>>)
        %dma_wait3A = arith.constant 0 : i32
        %dma_wait3A_44 = tpu.memref_slice %arg11[%add3A_39, %dma_wait3A] : memref<2512x128xf32, #tpu.memory_space<hbm>> -> memref<56x128xf32, #tpu.memory_space<hbm>>
        %dma_wait3A_45 = arith.constant 1200 : i32
        %dma_wait3A_46 = arith.constant 0 : i32
        %dma_wait3A_47 = tpu.memref_slice %arg20[%dma_wait3A_45, %dma_wait3A_46] : memref<1256x128xf32, #tpu.memory_space<vmem_shared>> -> memref<56x128xf32, #tpu.memory_space<vmem_shared>>
        tpu.wait_dma2 semaphore(%run_scoped3A : memref<!tpu.dma_semaphore, #tpu.memory_space<semaphore_mem>>) src(%dma_wait3A_47 : memref<56x128xf32, #tpu.memory_space<vmem_shared>>) dst(%dma_wait3A_44 : memref<56x128xf32, #tpu.memory_space<hbm>>)
        tpu.yield
      }) : () -> ()
    } else {
    }
    return
  }
}

module attributes {stable_mosaic.version = 14 : i64} {
  func.func @_pe_body(%arg0: i32, %arg1: memref<4000x16xf32, #tpu.memory_space<vmem>>, %arg2: memref<16x128xf32, #tpu.memory_space<vmem>>, %arg3: memref<4000x128xf32, #tpu.memory_space<vmem>>) attributes {dimension_semantics = [#tpu.dimension_semantics<arbitrary>], iteration_bounds = array<i64: 80>, scalar_prefetch = 0 : i64, scratch_operands = 0 : i64, tpu.core_type = #tpu.core_type<tc>, window_params = [{transform_indices = @transform_0, window_bounds = array<i64: 4000, 16>}, {pipeline_mode = #tpu.pipeline_mode<synchronous>, transform_indices = @transform_1, window_bounds = array<i64: 16, 128>}, {transform_indices = @transform_2, window_bounds = array<i64: 4000, 128>}]} {
    %get3A = arith.constant 0 : index
    %get3A_0 = arith.constant 0 : index
    %get3A_1 = vector.load %arg1[%get3A, %get3A_0] : memref<4000x16xf32, #tpu.memory_space<vmem>>, vector<4000x16xf32>
    %get3A_2 = arith.constant 0 : index
    %get3A_3 = arith.constant 0 : index
    %get3A_4 = vector.load %arg2[%get3A_2, %get3A_3] : memref<16x128xf32, #tpu.memory_space<vmem>>, vector<16x128xf32>
    %dot_general3A = arith.constant dense<0.000000e+00> : vector<4000x128xf32>
    %dot_general3A_5 = tpu.matmul %get3A_1, %get3A_4, %dot_general3A {dimension_numbers = #tpu.dot_dimension_numbers<[1], [0], [0], [1], [0, 0, 1, 1], [], []>, transpose_lhs_hint = false} : vector<4000x16xf32>, vector<16x128xf32>, vector<4000x128xf32> -> vector<4000x128xf32>
    %swap3A = arith.constant 0 : index
    %swap3A_6 = arith.constant 0 : index
    %swap3A_7 = vector.load %arg3[%swap3A, %swap3A_6] : memref<4000x128xf32, #tpu.memory_space<vmem>>, vector<4000x128xf32>
    tpu.vector_store %arg3[%swap3A, %swap3A_6], %dot_general3A_5 {strides = array<i32>} : memref<4000x128xf32, #tpu.memory_space<vmem>>, vector<4000x128xf32>,
    return
  }
  func.func @transform_0(%arg0: i32) -> (i32, i32) {
    %c0_i32 = arith.constant 0 : i32
    %c0_i32_0 = arith.constant 0 : i32
    return %arg0, %c0_i32 : i32, i32
  }
  func.func @transform_1(%arg0: i32) -> (i32, i32) {
    %c0_i32 = arith.constant 0 : i32
    %c0_i32_0 = arith.constant 0 : i32
    %c0_i32_1 = arith.constant 0 : i32
    return %c0_i32, %c0_i32_0 : i32, i32
  }
  func.func @transform_2(%arg0: i32) -> (i32, i32) {
    %c0_i32 = arith.constant 0 : i32
    %c0_i32_0 = arith.constant 0 : i32
    return %arg0, %c0_i32 : i32, i32
  }
}

module attributes {stable_mosaic.version = 14 : i64} {
  func.func @_tables_body(%arg0: i32, %arg1: memref<1000x128xf32, #tpu.memory_space<vmem>>, %arg2: memref<1000x1xi32, #tpu.memory_space<vmem>>, %arg3: memref<32x32xf32, #tpu.memory_space<vmem>>, %arg4: memref<128x128xf32, #tpu.memory_space<vmem>>, %arg5: memref<128x128xf32, #tpu.memory_space<vmem>>, %arg6: memref<32x128xf32, #tpu.memory_space<vmem>>, %arg7: memref<1x128xf32, #tpu.memory_space<vmem>>, %arg8: memref<1000x128xf32, #tpu.memory_space<vmem>>, %arg9: memref<1000x128xf32, #tpu.memory_space<vmem>>) attributes {dimension_semantics = [#tpu.dimension_semantics<arbitrary>], iteration_bounds = array<i64: 10>, scalar_prefetch = 0 : i64, scratch_operands = 0 : i64, tpu.core_type = #tpu.core_type<tc>, window_params = [{transform_indices = @transform_0, window_bounds = array<i64: 1000, 128>}, {transform_indices = @transform_1, window_bounds = array<i64: 1000, 1>}, {pipeline_mode = #tpu.pipeline_mode<synchronous>, transform_indices = @transform_2, window_bounds = array<i64: 32, 32>}, {pipeline_mode = #tpu.pipeline_mode<synchronous>, transform_indices = @transform_3, window_bounds = array<i64: 128, 128>}, {pipeline_mode = #tpu.pipeline_mode<synchronous>, transform_indices = @transform_4, window_bounds = array<i64: 128, 128>}, {pipeline_mode = #tpu.pipeline_mode<synchronous>, transform_indices = @transform_5, window_bounds = array<i64: 32, 128>}, {pipeline_mode = #tpu.pipeline_mode<synchronous>, transform_indices = @transform_6, window_bounds = array<i64: 1, 128>}, {transform_indices = @transform_7, window_bounds = array<i64: 1000, 128>}, {transform_indices = @transform_8, window_bounds = array<i64: 1000, 128>}]} {
    %get3A = arith.constant 0 : index
    %get3A_0 = arith.constant 0 : index
    %get3A_1 = vector.load %arg1[%get3A, %get3A_0] : memref<1000x128xf32, #tpu.memory_space<vmem>>, vector<1000x128xf32>
    %get3A_2 = arith.constant 0 : index
    %get3A_3 = arith.constant 0 : index
    %get3A_4 = vector.load %arg2[%get3A_2, %get3A_3] : memref<1000x1xi32, #tpu.memory_space<vmem>>, vector<1000x1xi32>
    %iota3A = tpu.iota {dimensions = array<i32: 1>} : vector<1000x32xi32>
    %eq3A = vector.broadcast %get3A_4 : vector<1000x1xi32> to vector<1000x32xi32>
    %eq3A_5 = arith.cmpi eq, %eq3A, %iota3A : vector<1000x32xi32>
    %convert_element_type3A = arith.extui %eq3A_5 : vector<1000x32xi1> to vector<1000x32xi32>
    %convert_element_type3A_6 = arith.sitofp %convert_element_type3A : vector<1000x32xi32> to vector<1000x32xf32>
    %get3A_7 = arith.constant 0 : index
    %get3A_8 = arith.constant 0 : index
    %get3A_9 = vector.load %arg3[%get3A_7, %get3A_8] : memref<32x32xf32, #tpu.memory_space<vmem>>, vector<32x32xf32>
    %get3A_10 = arith.constant 0 : index
    %get3A_11 = arith.constant 0 : index
    %get3A_12 = vector.load %arg6[%get3A_10, %get3A_11] : memref<32x128xf32, #tpu.memory_space<vmem>>, vector<32x128xf32>
    %dot_general3A = arith.constant dense<0.000000e+00> : vector<32x128xf32>
    %dot_general3A_13 = tpu.matmul %get3A_9, %get3A_12, %dot_general3A {dimension_numbers = #tpu.dot_dimension_numbers<[1], [0], [0], [1], [0, 0, 1, 1], [], []>, transpose_lhs_hint = false} : vector<32x32xf32>, vector<32x128xf32>, vector<32x128xf32> -> vector<32x128xf32>
    %get3A_14 = arith.constant 0 : index
    %get3A_15 = arith.constant 0 : index
    %get3A_16 = vector.load %arg4[%get3A_14, %get3A_15] : memref<128x128xf32, #tpu.memory_space<vmem>>, vector<128x128xf32>
    %dot_general3A_17 = arith.constant dense<0.000000e+00> : vector<1000x128xf32>
    %dot_general3A_18 = tpu.matmul %get3A_1, %get3A_16, %dot_general3A_17 {dimension_numbers = #tpu.dot_dimension_numbers<[1], [0], [0], [1], [0, 0, 1, 1], [], []>, transpose_lhs_hint = false} : vector<1000x128xf32>, vector<128x128xf32>, vector<1000x128xf32> -> vector<1000x128xf32>
    %dot_general3A_19 = arith.constant dense<0.000000e+00> : vector<1000x128xf32>
    %dot_general3A_20 = tpu.matmul %convert_element_type3A_6, %dot_general3A_13, %dot_general3A_19 {dimension_numbers = #tpu.dot_dimension_numbers<[1], [0], [0], [1], [0, 0, 1, 1], [], []>, transpose_lhs_hint = false} : vector<1000x32xf32>, vector<32x128xf32>, vector<1000x128xf32> -> vector<1000x128xf32>
    %add3A = arith.addf %dot_general3A_18, %dot_general3A_20 : vector<1000x128xf32>
    %get3A_21 = arith.constant 0 : index
    %get3A_22 = arith.constant 0 : index
    %get3A_23 = vector.load %arg7[%get3A_21, %get3A_22] : memref<1x128xf32, #tpu.memory_space<vmem>>, vector<1x128xf32>
    %add3A_24 = vector.broadcast %get3A_23 : vector<1x128xf32> to vector<1000x128xf32>
    %add3A_25 = arith.addf %add3A, %add3A_24 : vector<1000x128xf32>
    %swap3A = arith.constant 0 : index
    %swap3A_26 = arith.constant 0 : index
    %swap3A_27 = vector.load %arg8[%swap3A, %swap3A_26] : memref<1000x128xf32, #tpu.memory_space<vmem>>, vector<1000x128xf32>
    tpu.vector_store %arg8[%swap3A, %swap3A_26], %add3A_25 {strides = array<i32>} : memref<1000x128xf32, #tpu.memory_space<vmem>>, vector<1000x128xf32>,
    %get3A_28 = arith.constant 0 : index
    %get3A_29 = arith.constant 0 : index
    %get3A_30 = vector.load %arg5[%get3A_28, %get3A_29] : memref<128x128xf32, #tpu.memory_space<vmem>>, vector<128x128xf32>
    %dot_general3A_31 = arith.constant dense<0.000000e+00> : vector<1000x128xf32>
    %dot_general3A_32 = tpu.matmul %get3A_1, %get3A_30, %dot_general3A_31 {dimension_numbers = #tpu.dot_dimension_numbers<[1], [0], [0], [1], [0, 0, 1, 1], [], []>, transpose_lhs_hint = false} : vector<1000x128xf32>, vector<128x128xf32>, vector<1000x128xf32> -> vector<1000x128xf32>
    %swap3A_33 = arith.constant 0 : index
    %swap3A_34 = arith.constant 0 : index
    %swap3A_35 = vector.load %arg9[%swap3A_33, %swap3A_34] : memref<1000x128xf32, #tpu.memory_space<vmem>>, vector<1000x128xf32>
    tpu.vector_store %arg9[%swap3A_33, %swap3A_34], %dot_general3A_32 {strides = array<i32>} : memref<1000x128xf32, #tpu.memory_space<vmem>>, vector<1000x128xf32>,
    return
  }
  func.func @transform_0(%arg0: i32) -> (i32, i32) {
    %c0_i32 = arith.constant 0 : i32
    %c0_i32_0 = arith.constant 0 : i32
    return %arg0, %c0_i32 : i32, i32
  }
  func.func @transform_1(%arg0: i32) -> (i32, i32) {
    %c0_i32 = arith.constant 0 : i32
    %c0_i32_0 = arith.constant 0 : i32
    return %arg0, %c0_i32 : i32, i32
  }
  func.func @transform_2(%arg0: i32) -> (i32, i32) {
    %c0_i32 = arith.constant 0 : i32
    %c0_i32_0 = arith.constant 0 : i32
    %c0_i32_1 = arith.constant 0 : i32
    return %c0_i32, %c0_i32_0 : i32, i32
  }
  func.func @transform_3(%arg0: i32) -> (i32, i32) {
    %c0_i32 = arith.constant 0 : i32
    %c0_i32_0 = arith.constant 0 : i32
    %c0_i32_1 = arith.constant 0 : i32
    return %c0_i32, %c0_i32_0 : i32, i32
  }
  func.func @transform_4(%arg0: i32) -> (i32, i32) {
    %c0_i32 = arith.constant 0 : i32
    %c0_i32_0 = arith.constant 0 : i32
    %c0_i32_1 = arith.constant 0 : i32
    return %c0_i32, %c0_i32_0 : i32, i32
  }
  func.func @transform_5(%arg0: i32) -> (i32, i32) {
    %c0_i32 = arith.constant 0 : i32
    %c0_i32_0 = arith.constant 0 : i32
    %c0_i32_1 = arith.constant 0 : i32
    return %c0_i32, %c0_i32_0 : i32, i32
  }
  func.func @transform_6(%arg0: i32) -> (i32, i32) {
    %c0_i32 = arith.constant 0 : i32
    %c0_i32_0 = arith.constant 0 : i32
    %c0_i32_1 = arith.constant 0 : i32
    return %c0_i32, %c0_i32_0 : i32, i32
  }
  func.func @transform_7(%arg0: i32) -> (i32, i32) {
    %c0_i32 = arith.constant 0 : i32
    %c0_i32_0 = arith.constant 0 : i32
    return %arg0, %c0_i32 : i32, i32
  }
  func.func @transform_8(%arg0: i32) -> (i32, i32) {
    %c0_i32 = arith.constant 0 : i32
    %c0_i32_0 = arith.constant 0 : i32
    return %arg0, %c0_i32 : i32, i32
  }
}

module attributes {stable_mosaic.version = 14 : i64} {
  func.func @_edge_pool_body(%arg0: i32, %arg1: memref<4000x1xi32, #tpu.memory_space<vmem>>, %arg2: memref<10000x1xi32, #tpu.memory_space<vmem>>, %arg3: memref<4000x128xf32, #tpu.memory_space<vmem>>, %arg4: memref<32x128xf32, #tpu.memory_space<vmem>>, %arg5: memref<32x16xf32, #tpu.memory_space<vmem>>, %arg6: memref<32x128xf32, #tpu.memory_space<vmem>>, %arg7: memref<32x16xf32, #tpu.memory_space<vmem>>, %arg8: memref<1x32xi32, #tpu.memory_space<vmem>>, %arg9: memref<1x32xi32, #tpu.memory_space<vmem>>) attributes {dimension_semantics = [#tpu.dimension_semantics<arbitrary>], iteration_bounds = array<i64: 80>, scalar_prefetch = 0 : i64, scratch_operands = 4 : i64, tpu.core_type = #tpu.core_type<tc>, window_params = [{transform_indices = @transform_0, window_bounds = array<i64: 4000, 1>}, {pipeline_mode = #tpu.pipeline_mode<synchronous>, transform_indices = @transform_1, window_bounds = array<i64: 10000, 1>}, {transform_indices = @transform_2, window_bounds = array<i64: 4000, 128>}, {pipeline_mode = #tpu.pipeline_mode<synchronous>, transform_indices = @transform_3, window_bounds = array<i64: 32, 128>}, {pipeline_mode = #tpu.pipeline_mode<synchronous>, transform_indices = @transform_4, window_bounds = array<i64: 32, 16>}]} {
    %eq3A = arith.constant 0 : i32
    %eq3A_0 = arith.cmpi eq, %arg0, %eq3A : i32
    %convert_element_type3A = arith.extui %eq3A_0 : i1 to i32
    %cond3A = arith.constant 0 : i32
    %cond3A_1 = arith.cmpi ne, %convert_element_type3A, %cond3A : i32
    scf.if %cond3A_1 {
      %broadcast_in_dim3A_40 = arith.constant 0.000000e+00 : f32
      %broadcast_in_dim3A_41 = vector.broadcast %broadcast_in_dim3A_40 : f32 to vector<32x128xf32>
      %swap3A_42 = arith.constant 0 : index
      %swap3A_43 = arith.constant 0 : index
      %swap3A_44 = vector.load %arg6[%swap3A_42, %swap3A_43] : memref<32x128xf32, #tpu.memory_space<vmem>>, vector<32x128xf32>
      tpu.vector_store %arg6[%swap3A_42, %swap3A_43], %broadcast_in_dim3A_41 {strides = array<i32>} : memref<32x128xf32, #tpu.memory_space<vmem>>, vector<32x128xf32>,
      %broadcast_in_dim3A_45 = arith.constant 0.000000e+00 : f32
      %broadcast_in_dim3A_46 = vector.broadcast %broadcast_in_dim3A_45 : f32 to vector<32x16xf32>
      %swap3A_47 = arith.constant 0 : index
      %swap3A_48 = arith.constant 0 : index
      %swap3A_49 = vector.load %arg7[%swap3A_47, %swap3A_48] : memref<32x16xf32, #tpu.memory_space<vmem>>, vector<32x16xf32>
      tpu.vector_store %arg7[%swap3A_47, %swap3A_48], %broadcast_in_dim3A_46 {strides = array<i32>} : memref<32x16xf32, #tpu.memory_space<vmem>>, vector<32x16xf32>,
      %get3A_50 = arith.constant 0 : index
      %get3A_51 = arith.constant 0 : index
      %get3A_52 = vector.load %arg2[%get3A_50, %get3A_51] : memref<10000x1xi32, #tpu.memory_space<vmem>>, vector<10000x1xi32>
      %iota3A = tpu.iota {dimensions = array<i32: 1>} : vector<10000x32xi32>
      %lt3A_53 = vector.broadcast %get3A_52 : vector<10000x1xi32> to vector<10000x32xi32>
      %lt3A_54 = arith.cmpi slt, %lt3A_53, %iota3A : vector<10000x32xi32>
      %convert_element_type3A_55 = arith.extui %lt3A_54 : vector<10000x32xi1> to vector<10000x32xi32>
      %reduce_sum3A = arith.constant dense<0> : vector<32xi32>
      %reduce_sum3A_56 = vector.multi_reduction <add>, %convert_element_type3A_55, %reduce_sum3A [0] : vector<10000x32xi32> to vector<32xi32>
      %broadcast_in_dim3A_57 = vector.shape_cast %reduce_sum3A_56 : vector<32xi32> to vector<1x32xi32>
      %swap3A_58 = arith.constant 0 : index
      %swap3A_59 = arith.constant 0 : index
      %swap3A_60 = vector.load %arg8[%swap3A_58, %swap3A_59] : memref<1x32xi32, #tpu.memory_space<vmem>>, vector<1x32xi32>
      tpu.vector_store %arg8[%swap3A_58, %swap3A_59], %broadcast_in_dim3A_57 {strides = array<i32>} : memref<1x32xi32, #tpu.memory_space<vmem>>, vector<1x32xi32>,
      %le3A = vector.broadcast %get3A_52 : vector<10000x1xi32> to vector<10000x32xi32>
      %le3A_61 = arith.cmpi sle, %le3A, %iota3A : vector<10000x32xi32>
      %convert_element_type3A_62 = arith.extui %le3A_61 : vector<10000x32xi1> to vector<10000x32xi32>
      %reduce_sum3A_63 = arith.constant dense<0> : vector<32xi32>
      %reduce_sum3A_64 = vector.multi_reduction <add>, %convert_element_type3A_62, %reduce_sum3A_63 [0] : vector<10000x32xi32> to vector<32xi32>
      %broadcast_in_dim3A_65 = vector.shape_cast %reduce_sum3A_64 : vector<32xi32> to vector<1x32xi32>
      %swap3A_66 = arith.constant 0 : index
      %swap3A_67 = arith.constant 0 : index
      %swap3A_68 = vector.load %arg9[%swap3A_66, %swap3A_67] : memref<1x32xi32, #tpu.memory_space<vmem>>, vector<1x32xi32>
      tpu.vector_store %arg9[%swap3A_66, %swap3A_67], %broadcast_in_dim3A_65 {strides = array<i32>} : memref<1x32xi32, #tpu.memory_space<vmem>>, vector<1x32xi32>,
    } else {
    }
    %get3A = arith.constant 0 : index
    %get3A_2 = arith.constant 0 : index
    %get3A_3 = vector.load %arg1[%get3A, %get3A_2] : memref<4000x1xi32, #tpu.memory_space<vmem>>, vector<4000x1xi32>
    %get3A_4 = arith.constant 0 : index
    %get3A_5 = arith.constant 0 : index
    %get3A_6 = vector.load %arg8[%get3A_4, %get3A_5] : memref<1x32xi32, #tpu.memory_space<vmem>>, vector<1x32xi32>
    %ge3A = vector.broadcast %get3A_3 : vector<4000x1xi32> to vector<4000x32xi32>
    %ge3A_7 = vector.broadcast %get3A_6 : vector<1x32xi32> to vector<4000x32xi32>
    %ge3A_8 = arith.cmpi sge, %ge3A, %ge3A_7 : vector<4000x32xi32>
    %get3A_9 = arith.constant 0 : index
    %get3A_10 = arith.constant 0 : index
    %get3A_11 = vector.load %arg9[%get3A_9, %get3A_10] : memref<1x32xi32, #tpu.memory_space<vmem>>, vector<1x32xi32>
    %lt3A = vector.broadcast %get3A_3 : vector<4000x1xi32> to vector<4000x32xi32>
    %lt3A_12 = vector.broadcast %get3A_11 : vector<1x32xi32> to vector<4000x32xi32>
    %lt3A_13 = arith.cmpi slt, %lt3A, %lt3A_12 : vector<4000x32xi32>
    %and3A = arith.andi %ge3A_8, %lt3A_13 : vector<4000x32xi1>
    %convert_element_type3A_14 = arith.extui %and3A : vector<4000x32xi1> to vector<4000x32xi32>
    %convert_element_type3A_15 = arith.sitofp %convert_element_type3A_14 : vector<4000x32xi32> to vector<4000x32xf32>
    %get3A_16 = arith.constant 0 : index
    %get3A_17 = arith.constant 0 : index
    %get3A_18 = vector.load %arg6[%get3A_16, %get3A_17] : memref<32x128xf32, #tpu.memory_space<vmem>>, vector<32x128xf32>
    %get3A_19 = arith.constant 0 : index
    %get3A_20 = arith.constant 0 : index
    %get3A_21 = vector.load %arg3[%get3A_19, %get3A_20] : memref<4000x128xf32, #tpu.memory_space<vmem>>, vector<4000x128xf32>
    %dot_general3A = arith.constant dense<0.000000e+00> : vector<32x128xf32>
    %dot_general3A_22 = tpu.matmul %convert_element_type3A_15, %get3A_21, %dot_general3A {dimension_numbers = #tpu.dot_dimension_numbers<[0], [0], [1], [1], [0, 1, 1, 1], [], []>, transpose_lhs_hint = false} : vector<4000x32xf32>, vector<4000x128xf32>, vector<32x128xf32> -> vector<32x128xf32>
    %add3A = arith.addf %get3A_18, %dot_general3A_22 : vector<32x128xf32>
    %swap3A = arith.constant 0 : index
    %swap3A_23 = arith.constant 0 : index
    %swap3A_24 = vector.load %arg6[%swap3A, %swap3A_23] : memref<32x128xf32, #tpu.memory_space<vmem>>, vector<32x128xf32>
    tpu.vector_store %arg6[%swap3A, %swap3A_23], %add3A {strides = array<i32>} : memref<32x128xf32, #tpu.memory_space<vmem>>, vector<32x128xf32>,
    %get3A_25 = arith.constant 0 : index
    %get3A_26 = arith.constant 0 : index
    %get3A_27 = vector.load %arg7[%get3A_25, %get3A_26] : memref<32x16xf32, #tpu.memory_space<vmem>>, vector<32x16xf32>
    %broadcast_in_dim3A = arith.constant 1.000000e+00 : f32
    %broadcast_in_dim3A_28 = vector.broadcast %broadcast_in_dim3A : f32 to vector<4000x16xf32>
    %dot_general3A_29 = arith.constant dense<0.000000e+00> : vector<32x16xf32>
    %dot_general3A_30 = tpu.matmul %convert_element_type3A_15, %broadcast_in_dim3A_28, %dot_general3A_29 {dimension_numbers = #tpu.dot_dimension_numbers<[0], [0], [1], [1], [0, 1, 1, 1], [], []>, transpose_lhs_hint = false} : vector<4000x32xf32>, vector<4000x16xf32>, vector<32x16xf32> -> vector<32x16xf32>
    %add3A_31 = arith.addf %get3A_27, %dot_general3A_30 : vector<32x16xf32>
    %swap3A_32 = arith.constant 0 : index
    %swap3A_33 = arith.constant 0 : index
    %swap3A_34 = vector.load %arg7[%swap3A_32, %swap3A_33] : memref<32x16xf32, #tpu.memory_space<vmem>>, vector<32x16xf32>
    tpu.vector_store %arg7[%swap3A_32, %swap3A_33], %add3A_31 {strides = array<i32>} : memref<32x16xf32, #tpu.memory_space<vmem>>, vector<32x16xf32>,
    %eq3A_35 = arith.constant 79 : i32
    %eq3A_36 = arith.cmpi eq, %arg0, %eq3A_35 : i32
    %convert_element_type3A_37 = arith.extui %eq3A_36 : i1 to i32
    %cond3A_38 = arith.constant 0 : i32
    %cond3A_39 = arith.cmpi ne, %convert_element_type3A_37, %cond3A_38 : i32
    scf.if %cond3A_39 {
      %get3A_40 = arith.constant 0 : index
      %get3A_41 = arith.constant 0 : index
      %get3A_42 = vector.load %arg6[%get3A_40, %get3A_41] : memref<32x128xf32, #tpu.memory_space<vmem>>, vector<32x128xf32>
      %swap3A_43 = arith.constant 0 : index
      %swap3A_44 = arith.constant 0 : index
      %swap3A_45 = vector.load %arg4[%swap3A_43, %swap3A_44] : memref<32x128xf32, #tpu.memory_space<vmem>>, vector<32x128xf32>
      tpu.vector_store %arg4[%swap3A_43, %swap3A_44], %get3A_42 {strides = array<i32>} : memref<32x128xf32, #tpu.memory_space<vmem>>, vector<32x128xf32>,
      %get3A_46 = arith.constant 0 : index
      %get3A_47 = arith.constant 0 : index
      %get3A_48 = vector.load %arg7[%get3A_46, %get3A_47] : memref<32x16xf32, #tpu.memory_space<vmem>>, vector<32x16xf32>
      %swap3A_49 = arith.constant 0 : index
      %swap3A_50 = arith.constant 0 : index
      %swap3A_51 = vector.load %arg5[%swap3A_49, %swap3A_50] : memref<32x16xf32, #tpu.memory_space<vmem>>, vector<32x16xf32>
      tpu.vector_store %arg5[%swap3A_49, %swap3A_50], %get3A_48 {strides = array<i32>} : memref<32x16xf32, #tpu.memory_space<vmem>>, vector<32x16xf32>,
    } else {
    }
    return
  }
  func.func @transform_0(%arg0: i32) -> (i32, i32) {
    %c0_i32 = arith.constant 0 : i32
    %c0_i32_0 = arith.constant 0 : i32
    return %arg0, %c0_i32 : i32, i32
  }
  func.func @transform_1(%arg0: i32) -> (i32, i32) {
    %c0_i32 = arith.constant 0 : i32
    %c0_i32_0 = arith.constant 0 : i32
    %c0_i32_1 = arith.constant 0 : i32
    return %c0_i32, %c0_i32_0 : i32, i32
  }
  func.func @transform_2(%arg0: i32) -> (i32, i32) {
    %c0_i32 = arith.constant 0 : i32
    %c0_i32_0 = arith.constant 0 : i32
    return %arg0, %c0_i32 : i32, i32
  }
  func.func @transform_3(%arg0: i32) -> (i32, i32) {
    %c0_i32 = arith.constant 0 : i32
    %c0_i32_0 = arith.constant 0 : i32
    %c0_i32_1 = arith.constant 0 : i32
    return %c0_i32, %c0_i32_0 : i32, i32
  }
  func.func @transform_4(%arg0: i32) -> (i32, i32) {
    %c0_i32 = arith.constant 0 : i32
    %c0_i32_0 = arith.constant 0 : i32
    %c0_i32_1 = arith.constant 0 : i32
    return %c0_i32, %c0_i32_0 : i32, i32
  }
}

module attributes {stable_mosaic.version = 14 : i64} {
  func.func @_node_body(%arg0: i32, %arg1: memref<1000x128xf32, #tpu.memory_space<vmem>>, %arg2: memref<1000x128xf32, #tpu.memory_space<vmem>>, %arg3: memref<1000x1xf32, #tpu.memory_space<vmem>>, %arg4: memref<1000x1xf32, #tpu.memory_space<vmem>>, %arg5: memref<1000x128xf32, #tpu.memory_space<vmem>>, %arg6: memref<1000x1xi32, #tpu.memory_space<vmem>>, %arg7: memref<32x32xf32, #tpu.memory_space<vmem>>, %arg8: memref<128x128xf32, #tpu.memory_space<vmem>>, %arg9: memref<128x128xf32, #tpu.memory_space<vmem>>, %arg10: memref<32x128xf32, #tpu.memory_space<vmem>>, %arg11: memref<1x128xf32, #tpu.memory_space<vmem>>, %arg12: memref<32x128xf32, #tpu.memory_space<vmem>>, %arg13: memref<32x16xf32, #tpu.memory_space<vmem>>, %arg14: memref<128x32xf32, #tpu.memory_space<vmem>>, %arg15: memref<128x32xf32, #tpu.memory_space<vmem>>, %arg16: memref<32x32xf32, #tpu.memory_space<vmem>>, %arg17: memref<1x32xf32, #tpu.memory_space<vmem>>, %arg18: memref<1000x128xf32, #tpu.memory_space<vmem>>, %arg19: memref<32x32xf32, #tpu.memory_space<vmem>>, %arg20: memref<32x128xf32, #tpu.memory_space<vmem>>, %arg21: memref<32x128xf32, #tpu.memory_space<vmem>>) attributes {dimension_semantics = [#tpu.dimension_semantics<arbitrary>], iteration_bounds = array<i64: 10>, scalar_prefetch = 0 : i64, scratch_operands = 2 : i64, tpu.core_type = #tpu.core_type<tc>, window_params = [{transform_indices = @transform_0, window_bounds = array<i64: 1000, 128>}, {transform_indices = @transform_1, window_bounds = array<i64: 1000, 128>}, {transform_indices = @transform_2, window_bounds = array<i64: 1000, 1>}, {transform_indices = @transform_3, window_bounds = array<i64: 1000, 1>}, {transform_indices = @transform_4, window_bounds = array<i64: 1000, 128>}, {transform_indices = @transform_5, window_bounds = array<i64: 1000, 1>}, {pipeline_mode = #tpu.pipeline_mode<synchronous>, transform_indices = @transform_6, window_bounds = array<i64: 32, 32>}, {pipeline_mode = #tpu.pipeline_mode<synchronous>, transform_indices = @transform_7, window_bounds = array<i64: 128, 128>}, {pipeline_mode = #tpu.pipeline_mode<synchronous>, transform_indices = @transform_8, window_bounds = array<i64: 128, 128>}, {pipeline_mode = #tpu.pipeline_mode<synchronous>, transform_indices = @transform_9, window_bounds = array<i64: 32, 128>}, {pipeline_mode = #tpu.pipeline_mode<synchronous>, transform_indices = @transform_10, window_bounds = array<i64: 1, 128>}, {pipeline_mode = #tpu.pipeline_mode<synchronous>, transform_indices = @transform_11, window_bounds = array<i64: 32, 128>}, {pipeline_mode = #tpu.pipeline_mode<synchronous>, transform_indices = @transform_12, window_bounds = array<i64: 32, 16>}, {pipeline_mode = #tpu.pipeline_mode<synchronous>, transform_indices = @transform_13, window_bounds = array<i64: 128, 32>}, {pipeline_mode = #tpu.pipeline_mode<synchronous>, transform_indices = @transform_14, window_bounds = array<i64: 128, 32>}, {pipeline_mode = #tpu.pipeline_mode<synchronous>, transform_indices = @transform_15, window_bounds = array<i64: 32, 32>}, {pipeline_mode = #tpu.pipeline_mode<synchronous>, transform_indices = @transform_16, window_bounds = array<i64: 1, 32>}, {transform_indices = @transform_17, window_bounds = array<i64: 1000, 128>}, {pipeline_mode = #tpu.pipeline_mode<synchronous>, transform_indices = @transform_18, window_bounds = array<i64: 32, 32>}]} {
    %eq3A = arith.constant 0 : i32
    %eq3A_0 = arith.cmpi eq, %arg0, %eq3A : i32
    %convert_element_type3A = arith.extui %eq3A_0 : i1 to i32
    %cond3A = arith.constant 0 : i32
    %cond3A_1 = arith.cmpi ne, %convert_element_type3A, %cond3A : i32
    scf.if %cond3A_1 {
      %broadcast_in_dim3A_83 = arith.constant 0.000000e+00 : f32
      %broadcast_in_dim3A_84 = vector.broadcast %broadcast_in_dim3A_83 : f32 to vector<32x128xf32>
      %swap3A_85 = arith.constant 0 : index
      %swap3A_86 = arith.constant 0 : index
      %swap3A_87 = vector.load %arg20[%swap3A_85, %swap3A_86] : memref<32x128xf32, #tpu.memory_space<vmem>>, vector<32x128xf32>
      tpu.vector_store %arg20[%swap3A_85, %swap3A_86], %broadcast_in_dim3A_84 {strides = array<i32>} : memref<32x128xf32, #tpu.memory_space<vmem>>, vector<32x128xf32>,
      %broadcast_in_dim3A_88 = arith.constant 0.000000e+00 : f32
      %broadcast_in_dim3A_89 = vector.broadcast %broadcast_in_dim3A_88 : f32 to vector<32x128xf32>
      %swap3A_90 = arith.constant 0 : index
      %swap3A_91 = arith.constant 0 : index
      %swap3A_92 = vector.load %arg21[%swap3A_90, %swap3A_91] : memref<32x128xf32, #tpu.memory_space<vmem>>, vector<32x128xf32>
      tpu.vector_store %arg21[%swap3A_90, %swap3A_91], %broadcast_in_dim3A_89 {strides = array<i32>} : memref<32x128xf32, #tpu.memory_space<vmem>>, vector<32x128xf32>,
    } else {
    }
    %get3A = arith.constant 0 : index
    %get3A_2 = arith.constant 0 : index
    %get3A_3 = vector.load %arg5[%get3A, %get3A_2] : memref<1000x128xf32, #tpu.memory_space<vmem>>, vector<1000x128xf32>
    %get3A_4 = arith.constant 0 : index
    %get3A_5 = arith.constant 0 : index
    %get3A_6 = vector.load %arg3[%get3A_4, %get3A_5] : memref<1000x1xf32, #tpu.memory_space<vmem>>, vector<1000x1xf32>
    %get3A_7 = arith.constant 0 : index
    %get3A_8 = arith.constant 0 : index
    %get3A_9 = vector.load %arg4[%get3A_7, %get3A_8] : memref<1000x1xf32, #tpu.memory_space<vmem>>, vector<1000x1xf32>
    %add3A = arith.addf %get3A_6, %get3A_9 : vector<1000x1xf32>
    %max3A = arith.constant 1.000000e+00 : f32
    %max3A_10 = vector.broadcast %max3A : f32 to vector<1000x1xf32>
    %max3A_11 = arith.maximumf %add3A, %max3A_10 : vector<1000x1xf32>
    %get3A_12 = arith.constant 0 : index
    %get3A_13 = arith.constant 0 : index
    %get3A_14 = vector.load %arg1[%get3A_12, %get3A_13] : memref<1000x128xf32, #tpu.memory_space<vmem>>, vector<1000x128xf32>
    %get3A_15 = arith.constant 0 : index
    %get3A_16 = arith.constant 0 : index
    %get3A_17 = vector.load %arg2[%get3A_15, %get3A_16] : memref<1000x128xf32, #tpu.memory_space<vmem>>, vector<1000x128xf32>
    %add3A_18 = arith.addf %get3A_14, %get3A_17 : vector<1000x128xf32>
    %div3A = vector.broadcast %max3A_11 : vector<1000x1xf32> to vector<1000x128xf32>
    %div3A_19 = arith.divf %add3A_18, %div3A : vector<1000x128xf32>
    %get3A_20 = arith.constant 0 : index
    %get3A_21 = arith.constant 0 : index
    %get3A_22 = vector.load %arg6[%get3A_20, %get3A_21] : memref<1000x1xi32, #tpu.memory_space<vmem>>, vector<1000x1xi32>
    %iota3A = tpu.iota {dimensions = array<i32: 1>} : vector<1000x32xi32>
    %eq3A_23 = vector.broadcast %get3A_22 : vector<1000x1xi32> to vector<1000x32xi32>
    %eq3A_24 = arith.cmpi eq, %eq3A_23, %iota3A : vector<1000x32xi32>
    %convert_element_type3A_25 = arith.extui %eq3A_24 : vector<1000x32xi1> to vector<1000x32xi32>
    %convert_element_type3A_26 = arith.sitofp %convert_element_type3A_25 : vector<1000x32xi32> to vector<1000x32xf32>
    %get3A_27 = arith.constant 0 : index
    %get3A_28 = arith.constant 0 : index
    %get3A_29 = vector.load %arg7[%get3A_27, %get3A_28] : memref<32x32xf32, #tpu.memory_space<vmem>>, vector<32x32xf32>
    %get3A_30 = arith.constant 0 : index
    %get3A_31 = arith.constant 0 : index
    %get3A_32 = vector.load %arg10[%get3A_30, %get3A_31] : memref<32x128xf32, #tpu.memory_space<vmem>>, vector<32x128xf32>
    %dot_general3A = arith.constant dense<0.000000e+00> : vector<32x128xf32>
    %dot_general3A_33 = tpu.matmul %get3A_29, %get3A_32, %dot_general3A {dimension_numbers = #tpu.dot_dimension_numbers<[1], [0], [0], [1], [0, 0, 1, 1], [], []>, transpose_lhs_hint = false} : vector<32x32xf32>, vector<32x128xf32>, vector<32x128xf32> -> vector<32x128xf32>
    %get3A_34 = arith.constant 0 : index
    %get3A_35 = arith.constant 0 : index
    %get3A_36 = vector.load %arg8[%get3A_34, %get3A_35] : memref<128x128xf32, #tpu.memory_space<vmem>>, vector<128x128xf32>
    %dot_general3A_37 = arith.constant dense<0.000000e+00> : vector<1000x128xf32>
    %dot_general3A_38 = tpu.matmul %div3A_19, %get3A_36, %dot_general3A_37 {dimension_numbers = #tpu.dot_dimension_numbers<[1], [0], [0], [1], [0, 0, 1, 1], [], []>, transpose_lhs_hint = false} : vector<1000x128xf32>, vector<128x128xf32>, vector<1000x128xf32> -> vector<1000x128xf32>
    %get3A_39 = arith.constant 0 : index
    %get3A_40 = arith.constant 0 : index
    %get3A_41 = vector.load %arg9[%get3A_39, %get3A_40] : memref<128x128xf32, #tpu.memory_space<vmem>>, vector<128x128xf32>
    %dot_general3A_42 = arith.constant dense<0.000000e+00> : vector<1000x128xf32>
    %dot_general3A_43 = tpu.matmul %get3A_3, %get3A_41, %dot_general3A_42 {dimension_numbers = #tpu.dot_dimension_numbers<[1], [0], [0], [1], [0, 0, 1, 1], [], []>, transpose_lhs_hint = false} : vector<1000x128xf32>, vector<128x128xf32>, vector<1000x128xf32> -> vector<1000x128xf32>
    %add3A_44 = arith.addf %dot_general3A_38, %dot_general3A_43 : vector<1000x128xf32>
    %dot_general3A_45 = arith.constant dense<0.000000e+00> : vector<1000x128xf32>
    %dot_general3A_46 = tpu.matmul %convert_element_type3A_26, %dot_general3A_33, %dot_general3A_45 {dimension_numbers = #tpu.dot_dimension_numbers<[1], [0], [0], [1], [0, 0, 1, 1], [], []>, transpose_lhs_hint = false} : vector<1000x32xf32>, vector<32x128xf32>, vector<1000x128xf32> -> vector<1000x128xf32>
    %add3A_47 = arith.addf %add3A_44, %dot_general3A_46 : vector<1000x128xf32>
    %get3A_48 = arith.constant 0 : index
    %get3A_49 = arith.constant 0 : index
    %get3A_50 = vector.load %arg11[%get3A_48, %get3A_49] : memref<1x128xf32, #tpu.memory_space<vmem>>, vector<1x128xf32>
    %add3A_51 = vector.broadcast %get3A_50 : vector<1x128xf32> to vector<1000x128xf32>
    %add3A_52 = arith.addf %add3A_47, %add3A_51 : vector<1000x128xf32>
    %max3A_53 = arith.constant 0.000000e+00 : f32
    %max3A_54 = vector.broadcast %max3A_53 : f32 to vector<1000x128xf32>
    %max3A_55 = arith.maximumf %add3A_52, %max3A_54 : vector<1000x128xf32>
    %add3A_56 = arith.addf %max3A_55, %get3A_3 : vector<1000x128xf32>
    %swap3A = arith.constant 0 : index
    %swap3A_57 = arith.constant 0 : index
    %swap3A_58 = vector.load %arg18[%swap3A, %swap3A_57] : memref<1000x128xf32, #tpu.memory_space<vmem>>, vector<1000x128xf32>
    tpu.vector_store %arg18[%swap3A, %swap3A_57], %add3A_56 {strides = array<i32>} : memref<1000x128xf32, #tpu.memory_space<vmem>>, vector<1000x128xf32>,
    %get3A_59 = arith.constant 0 : index
    %get3A_60 = arith.constant 0 : index
    %get3A_61 = vector.load %arg20[%get3A_59, %get3A_60] : memref<32x128xf32, #tpu.memory_space<vmem>>, vector<32x128xf32>
    %dot_general3A_62 = arith.constant dense<0.000000e+00> : vector<32x128xf32>
    %dot_general3A_63 = tpu.matmul %convert_element_type3A_26, %add3A_56, %dot_general3A_62 {dimension_numbers = #tpu.dot_dimension_numbers<[0], [0], [1], [1], [0, 1, 1, 1], [], []>, transpose_lhs_hint = false} : vector<1000x32xf32>, vector<1000x128xf32>, vector<32x128xf32> -> vector<32x128xf32>
    %add3A_64 = arith.addf %get3A_61, %dot_general3A_63 : vector<32x128xf32>
    %swap3A_65 = arith.constant 0 : index
    %swap3A_66 = arith.constant 0 : index
    %swap3A_67 = vector.load %arg20[%swap3A_65, %swap3A_66] : memref<32x128xf32, #tpu.memory_space<vmem>>, vector<32x128xf32>
    tpu.vector_store %arg20[%swap3A_65, %swap3A_66], %add3A_64 {strides = array<i32>} : memref<32x128xf32, #tpu.memory_space<vmem>>, vector<32x128xf32>,
    %get3A_68 = arith.constant 0 : index
    %get3A_69 = arith.constant 0 : index
    %get3A_70 = vector.load %arg21[%get3A_68, %get3A_69] : memref<32x128xf32, #tpu.memory_space<vmem>>, vector<32x128xf32>
    %broadcast_in_dim3A = arith.constant 1.000000e+00 : f32
    %broadcast_in_dim3A_71 = vector.broadcast %broadcast_in_dim3A : f32 to vector<1000x128xf32>
    %dot_general3A_72 = arith.constant dense<0.000000e+00> : vector<32x128xf32>
    %dot_general3A_73 = tpu.matmul %convert_element_type3A_26, %broadcast_in_dim3A_71, %dot_general3A_72 {dimension_numbers = #tpu.dot_dimension_numbers<[0], [0], [1], [1], [0, 1, 1, 1], [], []>, transpose_lhs_hint = false} : vector<1000x32xf32>, vector<1000x128xf32>, vector<32x128xf32> -> vector<32x128xf32>
    %add3A_74 = arith.addf %get3A_70, %dot_general3A_73 : vector<32x128xf32>
    %swap3A_75 = arith.constant 0 : index
    %swap3A_76 = arith.constant 0 : index
    %swap3A_77 = vector.load %arg21[%swap3A_75, %swap3A_76] : memref<32x128xf32, #tpu.memory_space<vmem>>, vector<32x128xf32>
    tpu.vector_store %arg21[%swap3A_75, %swap3A_76], %add3A_74 {strides = array<i32>} : memref<32x128xf32, #tpu.memory_space<vmem>>, vector<32x128xf32>,
    %eq3A_78 = arith.constant 9 : i32
    %eq3A_79 = arith.cmpi eq, %arg0, %eq3A_78 : i32
    %convert_element_type3A_80 = arith.extui %eq3A_79 : i1 to i32
    %cond3A_81 = arith.constant 0 : i32
    %cond3A_82 = arith.cmpi ne, %convert_element_type3A_80, %cond3A_81 : i32
    scf.if %cond3A_82 {
      %get3A_83 = arith.constant 0 : index
      %get3A_84 = arith.constant 0 : index
      %get3A_85 = vector.load %arg7[%get3A_83, %get3A_84] : memref<32x32xf32, #tpu.memory_space<vmem>>, vector<32x32xf32>
      %get3A_86 = arith.constant 0 : index
      %get3A_87 = arith.constant 0 : index
      %get3A_88 = vector.load %arg20[%get3A_86, %get3A_87] : memref<32x128xf32, #tpu.memory_space<vmem>>, vector<32x128xf32>
      %get3A_89 = arith.constant 0 : index
      %get3A_90 = arith.constant 0 : index
      %get3A_91 = vector.load %arg21[%get3A_89, %get3A_90] : memref<32x128xf32, #tpu.memory_space<vmem>>, vector<32x128xf32>
      %max3A_92 = arith.constant 1.000000e+00 : f32
      %max3A_93 = vector.broadcast %max3A_92 : f32 to vector<32x128xf32>
      %max3A_94 = arith.maximumf %get3A_91, %max3A_93 : vector<32x128xf32>
      %div3A_95 = arith.divf %get3A_88, %max3A_94 : vector<32x128xf32>
      %get3A_96 = arith.constant 0 : index
      %get3A_97 = arith.constant 0 : index
      %get3A_98 = vector.load %arg13[%get3A_96, %get3A_97] : memref<32x16xf32, #tpu.memory_space<vmem>>, vector<32x1xf32>
      %max3A_99 = arith.constant 1.000000e+00 : f32
      %max3A_100 = vector.broadcast %max3A_99 : f32 to vector<32x1xf32>
      %max3A_101 = arith.maximumf %get3A_98, %max3A_100 : vector<32x1xf32>
      %get3A_102 = arith.constant 0 : index
      %get3A_103 = arith.constant 0 : index
      %get3A_104 = vector.load %arg12[%get3A_102, %get3A_103] : memref<32x128xf32, #tpu.memory_space<vmem>>, vector<32x128xf32>
      %div3A_105 = vector.broadcast %max3A_101 : vector<32x1xf32> to vector<32x128xf32>
      %div3A_106 = arith.divf %get3A_104, %div3A_105 : vector<32x128xf32>
      %get3A_107 = arith.constant 0 : index
      %get3A_108 = arith.constant 0 : index
      %get3A_109 = vector.load %arg14[%get3A_107, %get3A_108] : memref<128x32xf32, #tpu.memory_space<vmem>>, vector<128x32xf32>
      %dot_general3A_110 = arith.constant dense<0.000000e+00> : vector<32x32xf32>
      %dot_general3A_111 = tpu.matmul %div3A_95, %get3A_109, %dot_general3A_110 {dimension_numbers = #tpu.dot_dimension_numbers<[1], [0], [0], [1], [0, 0, 1, 1], [], []>, transpose_lhs_hint = false} : vector<32x128xf32>, vector<128x32xf32>, vector<32x32xf32> -> vector<32x32xf32>
      %get3A_112 = arith.constant 0 : index
      %get3A_113 = arith.constant 0 : index
      %get3A_114 = vector.load %arg15[%get3A_112, %get3A_113] : memref<128x32xf32, #tpu.memory_space<vmem>>, vector<128x32xf32>
      %dot_general3A_115 = arith.constant dense<0.000000e+00> : vector<32x32xf32>
      %dot_general3A_116 = tpu.matmul %div3A_106, %get3A_114, %dot_general3A_115 {dimension_numbers = #tpu.dot_dimension_numbers<[1], [0], [0], [1], [0, 0, 1, 1], [], []>, transpose_lhs_hint = false} : vector<32x128xf32>, vector<128x32xf32>, vector<32x32xf32> -> vector<32x32xf32>
      %add3A_117 = arith.addf %dot_general3A_111, %dot_general3A_116 : vector<32x32xf32>
      %get3A_118 = arith.constant 0 : index
      %get3A_119 = arith.constant 0 : index
      %get3A_120 = vector.load %arg16[%get3A_118, %get3A_119] : memref<32x32xf32, #tpu.memory_space<vmem>>, vector<32x32xf32>
      %dot_general3A_121 = arith.constant dense<0.000000e+00> : vector<32x32xf32>
      %dot_general3A_122 = tpu.matmul %get3A_85, %get3A_120, %dot_general3A_121 {dimension_numbers = #tpu.dot_dimension_numbers<[1], [0], [0], [1], [0, 0, 1, 1], [], []>, transpose_lhs_hint = false} : vector<32x32xf32>, vector<32x32xf32>, vector<32x32xf32> -> vector<32x32xf32>
      %add3A_123 = arith.addf %add3A_117, %dot_general3A_122 : vector<32x32xf32>
      %get3A_124 = arith.constant 0 : index
      %get3A_125 = arith.constant 0 : index
      %get3A_126 = vector.load %arg17[%get3A_124, %get3A_125] : memref<1x32xf32, #tpu.memory_space<vmem>>, vector<1x32xf32>
      %add3A_127 = vector.broadcast %get3A_126 : vector<1x32xf32> to vector<32x32xf32>
      %add3A_128 = arith.addf %add3A_123, %add3A_127 : vector<32x32xf32>
      %max3A_129 = arith.constant 0.000000e+00 : f32
      %max3A_130 = vector.broadcast %max3A_129 : f32 to vector<32x32xf32>
      %max3A_131 = arith.maximumf %add3A_128, %max3A_130 : vector<32x32xf32>
      %add3A_132 = arith.addf %max3A_131, %get3A_85 : vector<32x32xf32>
      %swap3A_133 = arith.constant 0 : index
      %swap3A_134 = arith.constant 0 : index
      %swap3A_135 = vector.load %arg19[%swap3A_133, %swap3A_134] : memref<32x32xf32, #tpu.memory_space<vmem>>, vector<32x32xf32>
      tpu.vector_store %arg19[%swap3A_133, %swap3A_134], %add3A_132 {strides = array<i32>} : memref<32x32xf32, #tpu.memory_space<vmem>>, vector<32x32xf32>,
    } else {
    }
    return
  }
  func.func @transform_0(%arg0: i32) -> (i32, i32) {
    %c0_i32 = arith.constant 0 : i32
    %c0_i32_0 = arith.constant 0 : i32
    return %arg0, %c0_i32 : i32, i32
  }
  func.func @transform_1(%arg0: i32) -> (i32, i32) {
    %add3A = arith.constant 10 : i32
    %add3A_0 = arith.addi %arg0, %add3A : i32
    %c0_i32 = arith.constant 0 : i32
    %c0_i32_1 = arith.constant 0 : i32
    return %add3A_0, %c0_i32 : i32, i32
  }
  func.func @transform_2(%arg0: i32) -> (i32, i32) {
    %c0_i32 = arith.constant 0 : i32
    %c0_i32_0 = arith.constant 0 : i32
    return %arg0, %c0_i32 : i32, i32
  }
  func.func @transform_3(%arg0: i32) -> (i32, i32) {
    %add3A = arith.constant 10 : i32
    %add3A_0 = arith.addi %arg0, %add3A : i32
    %c0_i32 = arith.constant 0 : i32
    %c0_i32_1 = arith.constant 0 : i32
    return %add3A_0, %c0_i32 : i32, i32
  }
  func.func @transform_4(%arg0: i32) -> (i32, i32) {
    %c0_i32 = arith.constant 0 : i32
    %c0_i32_0 = arith.constant 0 : i32
    return %arg0, %c0_i32 : i32, i32
  }
  func.func @transform_5(%arg0: i32) -> (i32, i32) {
    %c0_i32 = arith.constant 0 : i32
    %c0_i32_0 = arith.constant 0 : i32
    return %arg0, %c0_i32 : i32, i32
  }
  func.func @transform_6(%arg0: i32) -> (i32, i32) {
    %c0_i32 = arith.constant 0 : i32
    %c0_i32_0 = arith.constant 0 : i32
    %c0_i32_1 = arith.constant 0 : i32
    return %c0_i32, %c0_i32_0 : i32, i32
  }
  func.func @transform_7(%arg0: i32) -> (i32, i32) {
    %c0_i32 = arith.constant 0 : i32
    %c0_i32_0 = arith.constant 0 : i32
    %c0_i32_1 = arith.constant 0 : i32
    return %c0_i32, %c0_i32_0 : i32, i32
  }
  func.func @transform_8(%arg0: i32) -> (i32, i32) {
    %c0_i32 = arith.constant 0 : i32
    %c0_i32_0 = arith.constant 0 : i32
    %c0_i32_1 = arith.constant 0 : i32
    return %c0_i32, %c0_i32_0 : i32, i32
  }
  func.func @transform_9(%arg0: i32) -> (i32, i32) {
    %c0_i32 = arith.constant 0 : i32
    %c0_i32_0 = arith.constant 0 : i32
    %c0_i32_1 = arith.constant 0 : i32
    return %c0_i32, %c0_i32_0 : i32, i32
  }
  func.func @transform_10(%arg0: i32) -> (i32, i32) {
    %c0_i32 = arith.constant 0 : i32
    %c0_i32_0 = arith.constant 0 : i32
    %c0_i32_1 = arith.constant 0 : i32
    return %c0_i32, %c0_i32_0 : i32, i32
  }
  func.func @transform_11(%arg0: i32) -> (i32, i32) {
    %c0_i32 = arith.constant 0 : i32
    %c0_i32_0 = arith.constant 0 : i32
    %c0_i32_1 = arith.constant 0 : i32
    return %c0_i32, %c0_i32_0 : i32, i32
  }
  func.func @transform_12(%arg0: i32) -> (i32, i32) {
    %c0_i32 = arith.constant 0 : i32
    %c0_i32_0 = arith.constant 0 : i32
    %c0_i32_1 = arith.constant 0 : i32
    return %c0_i32, %c0_i32_0 : i32, i32
  }
  func.func @transform_13(%arg0: i32) -> (i32, i32) {
    %c0_i32 = arith.constant 0 : i32
    %c0_i32_0 = arith.constant 0 : i32
    %c0_i32_1 = arith.constant 0 : i32
    return %c0_i32, %c0_i32_0 : i32, i32
  }
  func.func @transform_14(%arg0: i32) -> (i32, i32) {
    %c0_i32 = arith.constant 0 : i32
    %c0_i32_0 = arith.constant 0 : i32
    %c0_i32_1 = arith.constant 0 : i32
    return %c0_i32, %c0_i32_0 : i32, i32
  }
  func.func @transform_15(%arg0: i32) -> (i32, i32) {
    %c0_i32 = arith.constant 0 : i32
    %c0_i32_0 = arith.constant 0 : i32
    %c0_i32_1 = arith.constant 0 : i32
    return %c0_i32, %c0_i32_0 : i32, i32
  }
  func.func @transform_16(%arg0: i32) -> (i32, i32) {
    %c0_i32 = arith.constant 0 : i32
    %c0_i32_0 = arith.constant 0 : i32
    %c0_i32_1 = arith.constant 0 : i32
    return %c0_i32, %c0_i32_0 : i32, i32
  }
  func.func @transform_17(%arg0: i32) -> (i32, i32) {
    %c0_i32 = arith.constant 0 : i32
    %c0_i32_0 = arith.constant 0 : i32
    return %arg0, %c0_i32 : i32, i32
  }
  func.func @transform_18(%arg0: i32) -> (i32, i32) {
    %c0_i32 = arith.constant 0 : i32
    %c0_i32_0 = arith.constant 0 : i32
    %c0_i32_1 = arith.constant 0 : i32
    return %c0_i32, %c0_i32_0 : i32, i32
  }
}

</mosaic_0001>

<sc_bundles>
// kernel: kernel.7.cloned.1.call-start
scs
__scs_entry_jumppad:
0x0: {  	(pc) =	sbr.rel $0x88, $3  }
0x1: {  	(tag) =	ssettag $0x0;
	lr =	simm.s32 $0x1  }
0x2: {  	[smem:$0x3F96] =	sst lr;
	_ =	strace $0xD0000000  }
0x3: {  	_ = 	snop  }
0x4: {  	_ = 	snop  }
0x5: {  	_ = 	snop  }
0x6: {  	_ = 	snop  }
0x7: {  	_ = 	snop  }
__scs_overlays_trampoline_lowered:
0x8: {  	[smem:$0x3FA5] =	sst s0  }
0x9: {  	[smem:$0x3FA6] =	sst s1  }
0xa: {  	[smem:$0x3FA7] =	sst s2  }
0xb: {  	[smem:$0x3FA8] =	sst s3  }
0xc: {  	[smem:$0x3FA9] =	sst s4  }
0xd: {  	[smem:$0x3FAA] =	sst s5  }
0xe: {  	[smem:$0x3FAB] =	sst s6  }
0xf: {  	[smem:$0x3FAC] =	sst s7  }
0x10: {  	[smem:$0x3FAD] =	sst s8  }
0x11: {  	[smem:$0x3FAE] =	sst s9;
	s0 =	simm.s32 @!p0 $0x0  }
0x12: {  	s1 =	sld [smem:$0x3F94];
	s0 =	simm.s32 @p0 $0x1  }
0x13: {  	[smem:$0x3FAF] =	sst s0;
	s0 =	simm.s32 @!p1 $0x0  }
0x14: {  	s2 =	sld [smem:$0x3F93];
	s0 =	simm.s32 @p1 $0x1  }
0x15: {  	[smem:$0x3FB0] =	sst s0;
	s0 =	simm.s32 @!p2 $0x0  }
0x16: {  	s3 =	sld [smem:$0x3FDB];
	s0 =	simm.s32 @p2 $0x1  }
0x17: {  	s4 =	simm.s32 $0x1BF5;
	[smem:$0x3FB2] =	sst s0  }
0x18: {  	s0 =	sld [smem:$0x3F95];
	_ =	swait.ge [sflag:s4], $0x0  }
0x19: {  	s7 =	sld [smem:$0x3F96]  }
0x1a: {  	s8 =	sadd.s32 $0xFFFFE003, lr  }
0x1b: {  	s9 =	sadd.s32 $0xFFFFFEF7, lr;
	s5 =	simm.s32 $0xFFFFFFFF;
	p2 =	slt.u32 s8, $0xFFFFF086  }
0x1c: {  	p1 =	slt.u32 s9, $0xF7A;
	s5 =	simm.s32 @!p2 $0x0  }
0x1d: {  	s5 =	simm.s32 @p1 $0x1;
	p0 =	seq.s32 s7, s2  }
0x1e: {  	s7 =	smul.u32 @!p0 $0xF7A, s2;
	p2 =	seq.s32 @!p0 s5, $0x0  }
0x1f: {  	s9 =	smul.u32 $0xF7A, s1;
	s8 =	simm.s32 @!p0 $0x1BF5;
	p2 =	por !p2, p0  }
0x20: {  	[sflag:s8] =	ssyncset.s32 @!p0 $0xFFFFF086;
	s6 =	sadd.s32 @!p0 s3, s7;
	s7 =	simm.s32 @!p0 $0x108  }
0x21: {  	s3 =	sadd.s32 s3, s9;
	s6 =	sadd.s32 @!p0 $0x88, s6;
	s7 =	simm.s32 @p2 $0x1082  }
0x22: {  	[simem:s7], [sflag:s8] =	dma.local @!p0 [hbm:s6], $0xF7A  }
0x23: {  	s9 =	sor.u32 $0xD0000000, s2;
	s6 =	simm.s32 $0x108;
	_ =	swait.ge @!p0 [sflag:s8], $0x0  }
0x24: {  	s3 =	sadd.s32 $0x88, s3;
	s6 =	simm.s32 @!p1 $0x1082;
	[sflag:s4] =	ssyncset.s32 $0xFFFFF086  }
0x25: {  	[simem:s6], [sflag:s4] =	dma.local [hbm:s3], $0xF7A  }
0x26: {  	[smem:$0x3F96] =	sst s1;
	(tag) =	ssettag s2;
	_ =	strace s9  }
0x27: {  	s1 =	sld [smem:$0x3FA6]  }
0x28: {  	s2 =	sld [smem:$0x3FA7]  }
0x29: {  	s4 =	sld [smem:$0x3FA9]  }
0x2a: {  	p0 =	seq.s32 s5, $0x0;
	s5 =	sld [smem:$0x3FAA]  }
0x2b: {  	s6 =	sld [smem:$0x3FAB]  }
0x2c: {  	s7 =	sld [smem:$0x3FAC]  }
0x2d: {  	s3 =	simm.s32 $0x108;
	s8 =	sld [smem:$0x3FAD]  }
0x2e: {  	s3 =	simm.s32 @!p0 $0x1082;
	s9 =	sld [smem:$0x3FAE]  }
0x2f: {  	lr =	sadd.s32 s0, s3;
	s0 =	sld [smem:$0x3FA5]  }
0x30: {  	s3 =	sld [smem:$0x3FA8]  }
0x31: {  	[smem:$0x3FB1] =	sst s10  }
0x32: {  	s10 =	sld [smem:$0x3FAF];
	_ =	sdelay $0x3  }
0x33: {  	p0 =	seq.s32 s10, $0x1;
	s10 =	sld [smem:$0x3FB1];
	_ =	sdelay $0x3  }
0x34: {  	[smem:$0x3FB1] =	sst s10  }
0x35: {  	s10 =	sld [smem:$0x3FB0];
	_ =	sdelay $0x3  }
0x36: {  	p1 =	seq.s32 s10, $0x1;
	s10 =	sld [smem:$0x3FB1];
	_ =	sdelay $0x3  }
0x37: {  	[smem:$0x3FB1] =	sst s10  }
0x38: {  	s10 =	sld [smem:$0x3FB2]  }
0x39: {  	_ = 	snop;
	(pc) =	sbr.ind lr, $3  }
0x3a: {  	_ = 	snop  }
0x3b: {  	_ = 	snop  }
0x3c: {  	p2 =	seq.s32 s10, $0x1;
	s10 =	sld [smem:$0x3FB1]  }
0x3d: {  	_ =	shalt  }
0x3e: {  	_ =	shalt  }
0x3f: {  	_ =	shalt  }
0x40: {  	_ =	shalt  }
0x41: {  	_ =	shalt  }
0x42: {  	_ =	shalt  }
0x43: {  	_ =	shalt  }
0x44: {  	_ =	shalt  }
0x45: {  	_ =	shalt  }
0x46: {  	_ =	shalt  }
0x47: {  	_ =	shalt  }
0x48: {  	_ =	shalt  }
0x49: {  	_ =	shalt  }
0x4a: {  	_ =	shalt  }
0x4b: {  	_ =	shalt  }
0x4c: {  	_ =	shalt  }
0x4d: {  	_ =	shalt  }
0x4e: {  	_ =	shalt  }
0x4f: {  	_ =	shalt  }
0x50: {  	_ =	shalt  }
0x51: {  	_ =	shalt  }
0x52: {  	_ =	shalt  }
0x53: {  	_ =	shalt  }
0x54: {  	_ =	shalt  }
0x55: {  	_ =	shalt  }
0x56: {  	_ =	shalt  }
0x57: {  	_ =	shalt  }
0x58: {  	_ =	shalt  }
0x59: {  	_ =	shalt  }
0x5a: {  	_ =	shalt  }
0x5b: {  	_ =	shalt  }
0x5c: {  	_ =	shalt  }
0x5d: {  	_ =	shalt  }
0x5e: {  	_ =	shalt  }
0x5f: {  	_ =	shalt  }
0x60: {  	_ =	shalt  }
0x61: {  	_ =	shalt  }
0x62: {  	_ =	shalt  }
0x63: {  	_ =	shalt  }
0x64: {  	_ =	shalt  }
0x65: {  	_ =	shalt  }
0x66: {  	_ =	shalt  }
0x67: {  	_ =	shalt  }
0x68: {  	_ =	shalt  }
0x69: {  	_ =	shalt  }
0x6a: {  	_ =	shalt  }
0x6b: {  	_ =	shalt  }
0x6c: {  	_ =	shalt  }
0x6d: {  	_ =	shalt  }
0x6e: {  	_ =	shalt  }
0x6f: {  	_ =	shalt  }
0x70: {  	_ =	shalt  }
0x71: {  	_ =	shalt  }
0x72: {  	_ =	shalt  }
0x73: {  	_ =	shalt  }
0x74: {  	_ =	shalt  }
0x75: {  	_ =	shalt  }
0x76: {  	_ =	shalt  }
0x77: {  	_ =	shalt  }
0x78: {  	_ =	shalt  }
0x79: {  	_ =	shalt  }
0x7a: {  	_ =	shalt  }
0x7b: {  	_ =	shalt  }
0x7c: {  	_ =	shalt  }
0x7d: {  	_ =	shalt  }
0x7e: {  	_ =	shalt  }
0x7f: {  	_ =	shalt  }
0x80: {  	_ =	shalt  }
0x81: {  	_ =	shalt  }
0x82: {  	_ =	shalt  }
0x83: {  	_ =	shalt  }
0x84: {  	_ =	shalt  }
0x85: {  	_ =	shalt  }
0x86: {  	_ =	shalt  }
0x87: {  	_ =	shalt  }
.Lfunc_end0:
.L_simem_size_0:
called_computation_lowered:
.L_overlay_start_0:
0x88: {  	s2 =	sld [smem:$0x3FD9]  }
0x89: {  	s3 =	sld [smem:$0x3FFE];
	_ =	sdelay $0x1  }
0x8a: {  	s1 =	srdreg.scid  }
0x8b: {  	s0 =	sand.u32 $0x1, s1  }
0x8c: {  	s14 =	sshll.u32 s0, $0xA;
	s2 =	sadd.s32 s3, s2  }
0x8d: {  	s2 =	sadd.s32 s2, s14  }
0x8e: {  	[smem:$0x3FBD] =	sst s2  }
0x8f: {  	_ = 	snop  }
0x90: {  	s2 =	sld [smem:$0x3FD0];
	_ =	sdelay $0x2  }
0x91: {  	s15 =	simm.s32 $0xA;
	s4 =	simm.s32 $0x10  }
0x92: {  	[smem:s4], [sflag:s15] =	dma.local [hbm:s2], $0x1  }
0x93: {  	_ =	swait.eq [sflag:s15], $0x1  }
0x94: {  	s16 =	sld [smem:$0x10];
	[sflag:s15] =	ssyncset.done $0x0  }
0x95: {  	s17 =	sld [smem:$0x11];
	[sflag:s15] =	ssyncadd.s32 $0xFFFFFFFF  }
0x96: {  	s18 =	sld [smem:$0x12];
	(tm) =	ssettm $0x1  }
0x97: {  	s5 =	sld [smem:$0x3FFB];
	_ =	sdelay $0x3  }
0x98: {  	_ =	strace s5  }
0x99: {  	s5 =	sld [smem:$0x3FFC];
	_ =	sdelay $0x3  }
0x9a: {  	_ =	strace s5  }
0x9b: {  	s5 =	sld [smem:$0x3FFD];
	_ =	sdelay $0x3  }
0x9c: {  	_ =	strace s5  }
0x9d: {  	_ =	strace $0x8FFFFFFF  }
0x9e: {  	s19 =	sld [smem:$0x3FDB];
	_ =	sdelay $0x1  }
0x9f: {  	s6 =	simm.s32 $_scs_section_size  }
0xa0: {  	s7 =	simm.s32 $_size__tile_overlayer_lowered;
	s8 =	simm.s32 $_tile_overlayer_lowered  }
0xa1: {  	s22 =	simm.s32 $0x1BFF;
	s21 =	sshll.u32 s8, $0x1;
	s5 =	sadd.s32 s6, s19  }
0xa2: {  	s9 =	simm.s32 $0x0;
	s20 =	sshll.u32 s7, $0x1;
	s7 =	sadd.s32 s21, s5  }
0xa3: {  	[timem:s9], [sflag:s22] =	dma.local [hbm:s7], s20  }
0xa4: {  	_ =	swait.ge [sflag:s22], s20  }
0xa5: {  	s6 =	ssub.s32 $0x0, s20;
	[sflag:s22] =	ssyncset.done $0x0  }
0xa6: {  	[sflag:s22] =	ssyncadd.s32 s6;
	_ =	sdelay $0x1  }
0xa7: {  	s23 =	simm.s32 $0x1B8B  }
0xa8: {  	_ =	swait.ge [sflag:s23], $0x1  }
0xa9: {  	[sflag:s23] =	ssyncset.done $0x0  }
0xaa: {  	s25 =	simm.s32 $0x1B8E;
	s24 =	sld [smem:$0x3FFE];
	[sflag:s23] =	ssyncadd.s32 $0xFFFFFFFF  }
0xab: {  	s26 =	simm.s32 $execute0_lowered;
	[smem:$0x3FD2] =	sst s25  }
0xac: {  	s7 =	sshll.u32 s26, $0x1;
	_ =	strace $0x80000046;
	[dreg:$0x1] =	wrdreg $0xFFFFFFFF  }
0xad: {  	s28 =	simm.s32 $_size_execute0_lowered;
	s5 =	sadd.s32 s5, s7;
	[dreg:$0x0] =	wrdreg $0x0  }
0xae: {  	s7 =	sshll.u32 s28, $0x1;
	[dreg:$0x2] =	wrdreg s5  }
0xaf: {  	[dreg:$0x3] =	wrdreg s7  }
0xb0: {  	[dreg:$0x4] =	wrdreg $0xC0  }
0xb1: {  	_ =	task [dreg:s9], $0x5FFFF  }
0xb2: {  	[dreg:$0x1] =	wrdreg $0xFFFFFFFF  }
0xb3: {  	[dreg:$0x0] =	wrdreg $0x60  }
0xb4: {  	[dreg:$0x2] =	wrdreg s16  }
0xb5: {  	[dreg:$0x3] =	wrdreg s24  }
0xb6: {  	[dreg:$0x4] =	wrdreg s18  }
0xb7: {  	[dreg:$0x5] =	wrdreg s17  }
0xb8: {  	[dreg:$0x6] =	wrdreg $0x7A000  }
0xb9: {  	[dreg:$0x7] =	wrdreg $0x1B2800  }
0xba: {  	[dreg:$0x8] =	wrdreg $0x9  }
0xbb: {  	_ =	task.clear_ibuf [dreg:s9], $0x9FFFF;
	_ =	strace $0x90000046  }
0xbc: {  	s29 =	simm.s32 $0x9;
	_ =	strace $0x80000048  }
0xbd: {  	_ =	swait.ge [sflag:s29], $0x1  }
0xbe: {  	[sflag:s29] =	ssyncadd.s32 $0xFFFFFFFF  }
0xbf: {  	_ =	strace $0x90000048  }
0xc0: {  	_ =	sfence  }
0xc1: {  	s30 =	sld [smem:$0x0];
	_ =	sdelay $0x2  }
0xc2: {  	s31 =	sshll.u32 s1, $0xD;
	s1 =	sshrl.u32 s1, $0x2  }
0xc3: {  	s3 =	sand.u32 $0x4000, s31;
	s1 =	sadd.s32 s1, s30  }
0xc4: {  	s0 =	sor.u32 s3, s0;
	s1 =	sshll.u32 s1, $0x11  }
0xc5: {  	s0 =	sor.u32 s1, s0  }
0xc6: {  	s0 =	sadd.s32 $0x8F2B, s0  }
0xc7: {  	[sflag:s0] =	ssyncadd.remote.s32 $0x1  }
0xc8: {  	_ =	sfence.sel $0xFFFF  }
0xc9: {  	[dreg:$0x0] =	wrdreg $0xFFFFFFFF;
	(pc) =	sbr.abs _section_cstart, $3  }
0xca: {  	[dreg:$0x1] =	wrdreg $0xFFFFFFFF  }
0xcb: {  	_ =	task.clear_ibuf [dreg:s9], $0x2FFFF;
	_ =	strace $0x9FFFFFFF  }
0xcc: {  	(tm) =	ssettm $0x7FFFFFFF  }
0xcd: {  	_ =	shalt  }
tec
execute0_lowered:
.L_overlay_start_1:
0x0: {  	(tag) =	ssettag $0x1  }
0x1: {  	s1 =	rddreg [dreg:$0x0]  }
0x2: {  	s0 =	rddreg [dreg:$0x1]  }
0x3: {  	s2 =	rddreg [dreg:$0x2]  }
0x4: {  	s3 =	rddreg [dreg:$0x3]  }
0x5: {  	s4 =	rddreg [dreg:$0x4]  }
0x6: {  	s6 =	rddreg [dreg:$0x5];
	s5 =	srdreg.scid  }
0x7: {  	s22 =	stileid.u32;
	s7 =	simm.s32 $0x0;
	s28 =	simm.s32 $0x2  }
0x8: {  	s29 =	simm.s32 $0x50;
	s30 =	simm.s32 $0x200;
	s31 =	simm.s32 $0x2A00  }
0x9: {  	s5 =	sand.u32 $0x1, s5;
	s8 =	sshll.u32 s22, $0x1;
	s13 =	smul.u32 $0x2800, s22  }
0xa: {  	[smem:$0x7FF] =	sst s7;
	s10 =	sadd.s32 $0x49000, s0;
	s14 =	smul.u32 $0x50000, s22  }
0xb: {  	s11 =	sadd.s32 $0x3F200, s0;
	s21 =	sadd.s32 $0x552200, s0;
	s23 =	smul.u32 $0x500, s22  }
0xc: {  	s12 =	sadd.s32 $0x35400, s0;
	s15 =	sadd.s32 $0x583200, s0;
	s24 =	smul.u32 $0xA000, s22  }
0xd: {  	s18 =	sadd.s32 $0x579400, s0;
	p0 =	sne.s32 s22, $0xF;
	s17 =	smul.u32 $0x27100, s5  }
0xe: {  	p1 =	seq.s32 s22, $0xF;
	_ =	strace $0x80000047;
	s20 =	smul.u32 $0x4E80, s5  }
0xf: {  	s9 =	sor.u32 s5, s8;
	s8 =	sadd.s32 $0x52B000, s0;
	s25 =	smul.u32 $0x138800, s5  }
0x10: {  	s16 =	ssub.s32 $0x2, s5;
	[dreg:$0x7] =	wrdreg s21;
	s26 =	smul.u32 $0x27400, s5  }
0x11: {  	s0 =	sadd.s32 $0x577A00, s0;
	p2 =	sne.s32 @p0 s22, $0x0;
	s9 =	smul.u32 $0x2710, s9  }
0x12: {  	s19 =	sshrl.u32 s16, $0x1;
	s14 =	sshrl.u32 s14, $0x2;
	s21 =	sadd.s32 s21, s13  }
0x13: {  	[dreg:$0x9] =	wrdreg s0;
	p2 =	por p2, !p0;
	s19 =	ssub.s32 s16, s19  }
0x14: {  	s14 =	sadd.s32 s14, s4;
	[dreg:$0x8] =	wrdreg s21;
	s13 =	sadd.s32 s13, s17  }
0x15: {  	s17 =	sadd.s32 s23, s20;
	s16 =	sadd.s32 $0x12C000, s4;
	s23 =	sshrl.u32 s24, $0x2  }
0x16: {  	s24 =	sshrl.u32 s25, $0x3;
	s0 =	sshrl.u32 s26, $0x3;
	s13 =	sadd.s32 s15, s13  }
0x17: {  	s5 =	sadd.s32 s23, s6;
	s25 =	sadd.s32 s18, s17;
	s0 =	sadd.s32 s18, s0  }
0x18: {  	s26 =	smax.u32 s19, $0x1;
	s23 =	simm.s32 $0x80;
	[dreg:$0xa] =	wrdreg s13  }
0x19: {  	s17 =	simm.s32 $0x100;
	s18 =	simm.s32 $0x4;
	[dreg:$0xb] =	wrdreg s25  }
0x1a: {  	s13 =	sadd.s32 s15, s24;
	s0 =	sadd.s32 $0x4B00, s0;
	[dreg:$0xe] =	wrdreg s26  }
0x1b: {  	s25 =	sshrl.u32 @!p1 s5, $0x3;
	s26 =	simm.s32 $0x1;
	s13 =	sadd.s32 $0x25800, s13  }
0x1c: {  	s15 =	simm.s32 $0x180;
	[dreg:$0xc] =	wrdreg s13;
	s13 =	sadd.s32 $0x25800, s6  }
0x1d: {  	s5 =	simm.s32 $0x0;
	[dreg:$0xd] =	wrdreg s0;
	s0 =	sshrl.u32 @p1 s13, $0x3  }
0x1e: {  	s13 =	simm.s32 $0x3;
	[dreg:$0xf] =	wrdreg s0;
	s0 =	simm.s32 $0x5200  }
.LBB2_1:
0x1f: {  	s19 =	sshll.u32 @p0 s22, $0x6  }
0x20: {  	s20 =	sshrl.u32 @p0 s14, $0x3;
	s21 =	rddreg [dreg:$0x8];
	s19 =	sor.u32 @p0 $0x1C05, s19  }
0x21: {  	[spmem:s20], [sflag:s19] =	dma.local @p0 [hbm:s21], $0x2800  }
0x22: {  	s19 =	simm.s32 @p0 $0x5  }
0x23: {  	_ =	swait.ge @p0 [sflag:s19], $0x2800  }
0x24: {  	s20 =	simm.s32 @!p2 $0x1C05;
	[sflag:s19] =	ssyncset.done @p0 $0x0  }
0x25: {  	s21 =	rddreg [dreg:$0x7];
	[sflag:s19] =	ssyncadd.s32 @p0 $0xFFFFD800;
	s19 =	sshrl.u32 @!p2 s6, $0x3  }
0x26: {  	[spmem:s19], [sflag:s20] =	dma.local @!p2 [hbm:s21], $0x4E80  }
0x27: {  	s19 =	simm.s32 @!p2 $0x5  }
0x28: {  	_ =	swait.ge @!p2 [sflag:s19], $0x4E80  }
0x29: {  	s20 =	simm.s32 @!p0 $0x1FC5;
	[sflag:s19] =	ssyncset.done @!p2 $0x0  }
0x2a: {  	s21 =	rddreg [dreg:$0x9];
	[sflag:s19] =	ssyncadd.s32 @!p2 $0xFFFFB180;
	s19 =	sshrl.u32 @!p0 s16, $0x3  }
0x2b: {  	[spmem:s19], [sflag:s20] =	dma.local @!p0 [hbm:s21], $0x1900  }
0x2c: {  	s19 =	simm.s32 @!p0 $0x5  }
0x2d: {  	_ =	swait.ge @!p0 [sflag:s19], $0x1900  }
0x2e: {  	[sflag:s19] =	ssyncset.done @!p0 $0x0  }
0x2f: {  	[sflag:s19] =	ssyncadd.s32 @!p0 $0xFFFFE700  }
0x30: {  	s19 =	simm.s32 $0x0;
	[bflag:$0x0] =	sbarrier.arrive $0xFFFF  }
.LBB2_2:
0x31: {  	s20 =	smul.u32 $0x50, s19;
	_ =	sdelay $0x1  }
0x32: {  	s20 =	sadd.s32 s9, s20  }
0x33: {  	s21 =	sshrl.u32 s20, $0x3  }
0x34: {  	s24 =	simm.s32 $0x0;
	s22 =	sadd.s32 s11, s21  }
0x35: {  	[tilespmem:s24], [sflag:$0x1] =	stream.linear.gather [hbm4b:s22+s24], $0x50, $0x38;
	[tilespmem:$0x1D9C0] =	vst v63  }
0x36: {  	s21 =	sadd.s32 s12, s21  }
0x37: {  	[tilespmem:s23], [sflag:$0x2] =	stream.linear.gather [hbm4b:s21+s24], $0x50, $0x38;
	[tilespmem:$0x1D9C0] =	vst v63  }
0x38: {  	_ =	swait.ge [sflag:s26], $0x50  }
0x39: {  	[sflag:s26] =	ssyncset.done $0x0  }
0x3a: {  	[sflag:s26] =	ssyncadd.s32 $0xFFFFFFB0  }
0x3b: {  	_ =	swait.ge [sflag:s28], $0x50  }
0x3c: {  	[sflag:s28] =	ssyncset.done $0x0  }
0x3d: {  	[sflag:s28] =	ssyncadd.s32 $0xFFFFFFB0  }
0x3e: {  	[tilespmem:s30], [sflag:$0x1] =	stream.indirect.gather [hbm4b:s1+s29], $0x80, s24, s29, $0xb8;
	[tilespmem:$0x1D9C0] =	vst v63  }
0x3f: {  	s20 =	sshll.u32 s20, $0x4  }
0x40: {  	[tilespmem:s31], [sflag:$0x2] =	stream.indirect.gather [hbm4b:s8+s29], $0x80, s23, s29, $0xb8;
	[tilespmem:$0x1D9C0] =	vst v63  }
0x41: {  	s22 =	sadd.s32 s10, s20  }
0x42: {  	[tilespmem:s0], [sflag:$0x3] =	stream.linear.gather [hbm4b:s22+s24], $0x2800, $0x38;
	[tilespmem:$0x1D9C0] =	vst v63  }
0x43: {  	v0 =	vld [tilespmem:$0x80];
	_ =	sdelay $0x1  }
0x44: {  	v1 =	vld [tilespmem:$0x90];
	_ =	sdelay $0x1  }
0x45: {  	v2 =	vld [tilespmem:$0xA0]  }
0x46: {  	v3 =	vshrl.u32 v0, $0x3  }
0x47: {  	v0 =	vand.u32 $0x7, v0;
	[tilespmem:$0x100] =	vst v3;
	v3 =	vld [tilespmem:$0xB0]  }
0x48: {  	[tilespmem:$0x180] =	vst v0;
	v0 =	vshrl.u32 v1, $0x3  }
0x49: {  	[tilespmem:$0x110] =	vst v0;
	v0 =	vand.u32 $0x7, v1;
	v1 =	vld [tilespmem:$0xC0]  }
0x4a: {  	[tilespmem:$0x190] =	vst v0;
	v0 =	vshrl.u32 v2, $0x3  }
0x4b: {  	[tilespmem:$0x120] =	vst v0;
	v0 =	vand.u32 $0x7, v2  }
0x4c: {  	[tilespmem:$0x1A0] =	vst v0;
	v0 =	vshrl.u32 v3, $0x3  }
0x4d: {  	[tilespmem:$0x130] =	vst v0;
	v0 =	vand.u32 $0x7, v3  }
0x4e: {  	[tilespmem:$0x1B0] =	vst v0;
	v0 =	vshrl.u32 v1, $0x3  }
0x4f: {  	[tilespmem:$0x140] =	vst v0;
	v0 =	vand.u32 $0x7, v1  }
0x50: {  	[tilespmem:$0x1C0] =	vst v0  }
0x51: {  	_ =	swait.ge [sflag:s26], $0x2800  }
0x52: {  	[sflag:s26] =	ssyncset.done $0x0  }
0x53: {  	[sflag:s26] =	ssyncadd.s32 $0xFFFFD800  }
0x54: {  	_ =	swait.ge [sflag:s28], $0x2800  }
0x55: {  	[sflag:s28] =	ssyncset.done $0x0  }
0x56: {  	[sflag:s28] =	ssyncadd.s32 $0xFFFFD800  }
0x57: {  	_ =	swait.ge [sflag:s13], $0x2800  }
0x58: {  	[sflag:s13] =	ssyncset.done $0x0  }
0x59: {  	s21 =	simm.s32 $0x0;
	[sflag:s13] =	ssyncadd.s32 $0xFFFFD800  }
0x5a: {  	v12 =	vld [tilespmem:s21+$0x200]  }
0x5b: {  	v17 =	vld [tilespmem:s21+$0x2A00]  }
0x5c: {  	v19 =	vld [tilespmem:s21+$0x210]  }
0x5d: {  	v20 =	vld [tilespmem:s21+$0x2A10]  }
0x5e: {  	v5 =	vld [tilespmem:s21+$0x220]  }
0x5f: {  	v9 =	vld [tilespmem:s21+$0x2A20]  }
0x60: {  	v7 =	vld [tilespmem:s21+$0x230]  }
0x61: {  	v11 =	vld [tilespmem:s21+$0x2A30]  }
0x62: {  	v8 =	vld [tilespmem:s21+$0x240]  }
0x63: {  	v10 =	vld [tilespmem:s21+$0x2A40]  }
0x64: {  	v4 =	vld [tilespmem:s21+$0x250]  }
0x65: {  	v6 =	vld [tilespmem:s21+$0x2A50]  }
0x66: {  	v2 =	vld [tilespmem:s21+$0x260]  }
0x67: {  	v3 =	vld [tilespmem:s21+$0x2A60]  }
0x68: {  	v0 =	vld [tilespmem:s21+$0x270]  }
0x69: {  	v1 =	vld [tilespmem:s21+$0x2A70]  }
0x6a: {  	v16 =	vld [tilespmem:s21+$0x5200]  }
0x6b: {  	v15 =	vld [tilespmem:s21+$0x5210]  }
0x6c: {  	v14 =	vld [tilespmem:s21+$0x5220]  }
0x6d: {  	v13 =	vld [tilespmem:s21+$0x5230];
	v18 =	vadd.f32 v17, v12  }
0x6e: {  	s22 =	simm.s32 $0x200;
	v17 =	vadd.f32 v20, v19;
	v12 =	vld [tilespmem:s21+$0x5240]  }
.LBB2_3:
0x6f: {  	p3 =	sne.s32 s22, $0x9E00;
	v16 =	vadd.f32 v16, v18;
	v5 =	vadd.f32 v9, v5;
	v9 =	vld [tilespmem:s21+$0x5250]  }
0x70: {  	v7 =	vadd.f32 v11, v7;
	v15 =	vadd.f32 v15, v17;
	v11 =	vld [tilespmem:s21+$0x5260]  }
0x71: {  	s24 =	sshra.s32 s22, $0x2;
	v8 =	vadd.f32 v10, v8;
	v16 =	vmax.f32 v16, $0.0e+00;
	v5 =	vadd.f32 v14, v5;
	v10 =	vld [tilespmem:s21+$0x5270]  }
0x72: {  	v4 =	vadd.f32 v6, v4;
	v17 =	vld [tilespmem:s24+$0x200];
	[tilespmem:s21+$0x5200] =	vst v16;
	v14 =	vmax.f32 v15, $0.0e+00;
	v7 =	vadd.f32 v13, v7  }
0x73: {  	v2 =	vadd.f32 v3, v2;
	v13 =	vld [tilespmem:s24+$0x2A00];
	[tilespmem:s21+$0x5210] =	vst v14;
	v5 =	vmax.f32 v5, $0.0e+00;
	v6 =	vadd.f32 v12, v8  }
0x74: {  	v0 =	vadd.f32 v1, v0;
	v12 =	vld [tilespmem:s24+$0x210];
	[tilespmem:s21+$0x5220] =	vst v5;
	v3 =	vmax.f32 v7, $0.0e+00;
	v4 =	vadd.f32 v9, v4  }
0x75: {  	v19 =	vld [tilespmem:s24+$0x2A10];
	[tilespmem:s21+$0x5230] =	vst v3;
	v1 =	vmax.f32 v6, $0.0e+00;
	v2 =	vadd.f32 v11, v2  }
0x76: {  	v5 =	vld [tilespmem:s24+$0x220];
	[tilespmem:s21+$0x5240] =	vst v1;
	v1 =	vmax.f32 v4, $0.0e+00;
	v0 =	vadd.f32 v10, v0  }
0x77: {  	v9 =	vld [tilespmem:s24+$0x2A20];
	[tilespmem:s21+$0x5250] =	vst v1;
	v1 =	vmax.f32 v2, $0.0e+00  }
0x78: {  	v7 =	vld [tilespmem:s24+$0x230];
	[tilespmem:s21+$0x5260] =	vst v1;
	v0 =	vmax.f32 v0, $0.0e+00  }
0x79: {  	v11 =	vld [tilespmem:s24+$0x2A30];
	[tilespmem:s21+$0x5270] =	vst v0;
	s21 =	smov.u32 s24  }
0x7a: {  	v8 =	vld [tilespmem:s21+$0x240]  }
0x7b: {  	v10 =	vld [tilespmem:s21+$0x2A40]  }
0x7c: {  	v4 =	vld [tilespmem:s21+$0x250]  }
0x7d: {  	v6 =	vld [tilespmem:s21+$0x2A50]  }
0x7e: {  	v2 =	vld [tilespmem:s21+$0x260]  }
0x7f: {  	v3 =	vld [tilespmem:s21+$0x2A60]  }
0x80: {  	v0 =	vld [tilespmem:s21+$0x270]  }
0x81: {  	v1 =	vld [tilespmem:s21+$0x2A70]  }
.Ltmp0:
0x82: {  	v16 =	vld [tilespmem:s21+$0x5200];
	(pc) =	sbr.rel @p3 .LBB2_3-.Ltmp0, $4  }
0x83: {  	v15 =	vld [tilespmem:s21+$0x5210]  }
0x84: {  	v14 =	vld [tilespmem:s21+$0x5220]  }
0x85: {  	v18 =	vadd.f32 v13, v17;
	v13 =	vld [tilespmem:s21+$0x5230]  }
0x86: {  	s22 =	sadd.s32 $0x200, s22;
	v17 =	vadd.f32 v19, v12;
	v12 =	vld [tilespmem:s21+$0x5240]  }
0x87: {  	v16 =	vadd.f32 v16, v18;
	v5 =	vadd.f32 v9, v5;
	v55 =	vld [tilespmem:s21+$0x5250]  }
0x88: {  	v7 =	vadd.f32 v11, v7;
	v56 =	vld [tilespmem:s21+$0x5260];
	v15 =	vadd.f32 v15, v17  }
0x89: {  	v8 =	vadd.f32 v10, v8;
	v57 =	vld [tilespmem:s21+$0x5270];
	v16 =	vmax.f32 v16, $0.0e+00;
	v5 =	vadd.f32 v14, v5  }
0x8a: {  	v4 =	vadd.f32 v6, v4;
	[tilespmem:s21+$0x5200] =	vst v16;
	v58 =	vmax.f32 v15, $0.0e+00;
	v7 =	vadd.f32 v13, v7  }
0x8b: {  	v2 =	vadd.f32 v3, v2;
	[tilespmem:s21+$0x5210] =	vst v58;
	v5 =	vmax.f32 v5, $0.0e+00;
	v59 =	vadd.f32 v12, v8  }
0x8c: {  	v0 =	vadd.f32 v1, v0;
	[tilespmem:s21+$0x5220] =	vst v5;
	v60 =	vmax.f32 v7, $0.0e+00;
	v4 =	vadd.f32 v55, v4  }
0x8d: {  	v2 =	vadd.f32 v56, v2;
	[tilespmem:s21+$0x5230] =	vst v60;
	v61 =	vmax.f32 v59, $0.0e+00  }
0x8e: {  	v0 =	vadd.f32 v57, v0;
	[tilespmem:s21+$0x5240] =	vst v61;
	v62 =	vmax.f32 v4, $0.0e+00  }
0x8f: {  	v63 =	vmax.f32 v2, $0.0e+00;
	[tilespmem:s21+$0x5250] =	vst v62  }
0x90: {  	v0 =	vmax.f32 v0, $0.0e+00;
	[tilespmem:s21+$0x5260] =	vst v63  }
0x91: {  	s20 =	sadd.s32 s3, s20;
	[tilespmem:s21+$0x5270] =	vst v0  }
0x92: {  	[hbm4b:s20+s7] =	stream.linear.scatter [tilespmem:s0], [sflag:$0x4], $0x2800, $0x38;
	[tilespmem:$0x1D9C0] =	vst v63  }
0x93: {  	_ = 	snop  }
0x94: {  	[tilespmem:s30], [sflag:$0x1] =	stream.indirect.gather [hbm4b:s2+s29], $0x80, s15, s29, $0xb8;
	[tilespmem:$0x1D9C0] =	vst v63  }
0x95: {  	_ = 	snop  }
0x96: {  	[spmem:s4] =	stream.indirect.scatter.add.f32 [tilespmem:s0], [sflag:$0x3], $0x80, s23, s29, $0xb8;
	[tilespmem:$0x1D9C0] =	vst v63  }
0x97: {  	_ =	swait.ge [sflag:s26], $0x2800  }
0x98: {  	[sflag:s26] =	ssyncset.done $0x0  }
0x99: {  	[sflag:s26] =	ssyncadd.s32 $0xFFFFD800  }
0x9a: {  	[spmem:s6] =	stream.indirect.scatter.add.f32 [tilespmem:s30], [sflag:$0x2], $0x80, s17, s29, $0xb8;
	[tilespmem:$0x1D9C0] =	vst v63  }
0x9b: {  	_ =	swait.ge [sflag:s13], $0x2800  }
0x9c: {  	[sflag:s13] =	ssyncset.done $0x0  }
0x9d: {  	s19 =	sadd.s32 $0x1, s19;
	[sflag:s13] =	ssyncadd.s32 $0xFFFFD800  }
0x9e: {  	p3 =	sne.s32 s19, $0x7D;
	_ =	swait.ge [sflag:s28], $0x2800  }
.Ltmp1:
0x9f: {  	[sflag:s28] =	ssyncset.done $0x0;
	(pc) =	sbr.rel @p3 .LBB2_2-.Ltmp1, $4  }
0xa0: {  	[sflag:s28] =	ssyncadd.s32 $0xFFFFD800  }
0xa1: {  	_ =	swait.ge [sflag:s18], $0x2800  }
0xa2: {  	[sflag:s18] =	ssyncset.done $0x0  }
0xa3: {  	[sflag:s18] =	ssyncadd.s32 $0xFFFFD800  }
0xa4: {  	[bflag:$0x0] =	sbarrier.arrive $0xFFFF  }
0xa5: {  	s19 =	sshrl.u32 @p1 s16, $0x3;
	s20 =	simm.s32 @p1 $0x1FC5;
	s21 =	rddreg [dreg:$0xc]  }
0xa6: {  	[hbm:s21], [sflag:s20] =	dma.local @p1 [spmem:s19], $0x1900  }
0xa7: {  	s19 =	simm.s32 @p1 $0x5  }
0xa8: {  	_ =	swait.ge @p1 [sflag:s19], $0x1900  }
0xa9: {  	[sflag:s19] =	ssyncset.done @p1 $0x0;
	s21 =	rddreg [dreg:$0xd]  }
0xaa: {  	s22 =	rddreg [dreg:$0xf];
	[sflag:s19] =	ssyncadd.s32 @p1 $0xFFFFE700  }
0xab: {  	[hbm:s21], [sflag:s20] =	dma.local @p1 [spmem:s22], $0x380  }
0xac: {  	s22 =	stileid.u32;
	_ =	swait.ge @p1 [sflag:s19], $0x380  }
0xad: {  	s20 =	sshll.u32 @!p1 s22, $0x6;
	[sflag:s19] =	ssyncset.done @p1 $0x0;
	s21 =	rddreg [dreg:$0xa]  }
0xae: {  	[sflag:s19] =	ssyncadd.s32 @p1 $0xFFFFFC80;
	s19 =	sor.u32 @!p1 $0x1C05, s20;
	s20 =	sshrl.u32 @!p1 s14, $0x3  }
0xaf: {  	[hbm:s21], [sflag:s19] =	dma.local @!p1 [spmem:s20], $0x2800  }
0xb0: {  	s20 =	simm.s32 @!p1 $0x5  }
0xb1: {  	_ =	swait.ge @!p1 [sflag:s20], $0x2800  }
0xb2: {  	[sflag:s20] =	ssyncset.done @!p1 $0x0  }
0xb3: {  	s21 =	rddreg [dreg:$0xb];
	[sflag:s20] =	ssyncadd.s32 @!p1 $0xFFFFD800  }
0xb4: {  	[hbm:s21], [sflag:s19] =	dma.local @!p1 [spmem:s25], $0x500  }
0xb5: {  	_ =	swait.ge @!p1 [sflag:s20], $0x500  }
0xb6: {  	s5 =	sadd.s32 $0x1, s5;
	s24 =	rddreg [dreg:$0xe]  }
0xb7: {  	p3 =	sne.s32 s5, s24  }
.Ltmp2:
0xb8: {  	_ = 	snop;
	(pc) =	sbr.rel @p3 .LBB2_1-.Ltmp2, $3  }
0xb9: {  	_ =	sdelay $0x1  }
0xba: {  	[sflag:s20] =	ssyncset.done @!p1 $0x0  }
0xbb: {  	[sflag:s20] =	ssyncadd.s32 @!p1 $0xFFFFFB00  }
0xbc: {  	_ =	sfence.sel $0x180000  }
0xbd: {  	[bflag:$0x0] =	sbarrier.arrive $0xFFFF  }
0xbe: {  	_ =	strace $0x90000047  }
0xbf: {  	[bflag:$0x2] =	sbarrier.arrive $0xFFFF  }
0xc0: {  	p0 =	sne.s32 s22, $0x0;
	s0 =	rddreg [dreg:$0x6]  }
0xc1: {  	s0 =	sadd.s32 @!p0 $0x100000, s0  }
0xc2: {  	[sflag:s0] =	ssyncadd.tile.s32 @!p0 $0x1;
	_ =	shalt  }
.Lfunc_end2:
_tile_overlayer_lowered:
.L_overlay_start_2:
0xc3: {  	(tag) =	ssettag $0x2  }
0xc4: {  	s0 =	rddreg [dreg:$0x0];
	s2 =	stileid.u32  }
0xc5: {  	s1 =	rddreg [dreg:$0x1];
	p0 =	sne.s32 s2, $0x0  }
0xc6: {  	s3 =	rddreg [dreg:$0x2];
	[bflag:$0x3] =	sbarrier.arrive $0xFFFF;
	s2 =	simm.s32 @!p0 $0x1C05  }
0xc7: {  	[timem:s3], [sflag:s2] =	dma.local @!p0 [hbm:s0], s1  }
0xc8: {  	s0 =	simm.s32 @!p0 $0x5  }
0xc9: {  	_ =	swait.ge @!p0 [sflag:s0], s1  }
0xca: {  	s1 =	ssub.s32 @!p0 $0x0, s1;
	[sflag:s0] =	ssyncset.done @!p0 $0x0  }
0xcb: {  	[sflag:s0] =	ssyncadd.s32 @!p0 s1  }
0xcc: {  	[bflag:$0x3] =	sbarrier.arrive $0xFFFF  }
0xcd: {  	_ =	shalt  }

</sc_bundles>
